<compile_context>
chip_gen: v7x
topology: tpu7x:2x2x1
jax: 0.10.2.dev20260603
libtpu: 0.0.44.dev20260713+nightly
codegen_flags: <defaults>
</compile_context>

<pallas_src>
import functools

import jax
import jax.numpy as jnp
from jax import lax
from jax.experimental import pallas as pl
from jax.experimental.pallas import tpu as pltpu
from jax.experimental.pallas import tpu_sc as plsc

B = 16384
D = 32
WIDE = 128
RPW_TAB = WIDE // D
NC = 2
NS = 16
NW = NC * NS
BPW = B // NW
CHUNK = 128
NCH = BPW // CHUNK
TC_BS = 2048
FMT_COLS = 16384
FMT_ROWS = FMT_COLS // RPW_TAB


def _tc_format(tt, eye, n_rows):
    grid = (n_rows + FMT_COLS - 1) // FMT_COLS

    def body(t_ref, e_ref, o_ref):
        o_ref[...] = jnp.concatenate(
            [lax.dot_general(t_ref[:, p * FMT_ROWS:(p + 1) * FMT_ROWS],
                             e_ref[...],
                             (((0,), (0,)), ((), ())),
                             preferred_element_type=jnp.float32)
             for p in range(RPW_TAB)], axis=1)

    return pl.pallas_call(
        body,
        grid=(grid,),
        in_specs=[pl.BlockSpec((D, FMT_COLS), lambda g: (0, g)),
                  pl.BlockSpec((D, D), lambda g: (0, 0))],
        out_specs=pl.BlockSpec((FMT_ROWS, WIDE), lambda g: (g, 0)),
        out_shape=jax.ShapeDtypeStruct((grid * FMT_ROWS, WIDE), jnp.float32),
    )(tt, eye)


def _sc_gather_wide(uidx, iidx, utab_w, itab_w):
    mesh = plsc.VectorSubcoreMesh(
        core_axis_name="c", subcore_axis_name="s",
        num_cores=NC, num_subcores=NS)

    @functools.partial(
        pl.kernel, mesh=mesh,
        compiler_params=pltpu.CompilerParams(use_tc_tiling_on_sc=True),
        out_type=(jax.ShapeDtypeStruct((B, WIDE), jnp.float32),
                  jax.ShapeDtypeStruct((B, WIDE), jnp.float32)),
        scratch_types=[
            pltpu.VMEM((NCH, CHUNK), jnp.int32),
            pltpu.VMEM((NCH, CHUNK), jnp.int32),
            pltpu.VMEM((2, CHUNK, WIDE), jnp.float32),
            pltpu.VMEM((2, CHUNK, WIDE), jnp.float32),
            pltpu.SemaphoreType.DMA,
        ],
    )
    def k(uidx_hbm, iidx_hbm, utab, itab, uout, iout,
          uidx_v, iidx_v, ubuf, ibuf, sem):
        wid = lax.axis_index("s") * NC + lax.axis_index("c")
        base = wid * BPW
        pltpu.sync_copy(uidx_hbm.at[wid], uidx_v)
        pltpu.sync_copy(iidx_hbm.at[wid], iidx_v)
        gathers = []
        for j in range(NCH):
            gathers.append((
                pltpu.async_copy(utab.at[uidx_v.at[j]], ubuf.at[j % 2], sem),
                pltpu.async_copy(itab.at[iidx_v.at[j]], ibuf.at[j % 2], sem),
            ))
            if j > 0:
                gu, gi = gathers[j - 1]
                gu.wait()
                gi.wait()
                off = base + (j - 1) * CHUNK
                pltpu.sync_copy(ubuf.at[(j - 1) % 2],
                                uout.at[pl.ds(off, CHUNK)])
                pltpu.sync_copy(ibuf.at[(j - 1) % 2],
                                iout.at[pl.ds(off, CHUNK)])
        gu, gi = gathers[NCH - 1]
        gu.wait()
        gi.wait()
        off = base + (NCH - 1) * CHUNK
        pltpu.sync_copy(ubuf.at[(NCH - 1) % 2], uout.at[pl.ds(off, CHUNK)])
        pltpu.sync_copy(ibuf.at[(NCH - 1) % 2], iout.at[pl.ds(off, CHUNK)])

    return k(uidx, iidx, utab_w, itab_w)


def _tc_combine(uwide, iwide, usub, isub, wt, b2):
    def body(uw_ref, iw_ref, us_ref, is_ref, wt_ref, b_ref, o_ref):
        us = us_ref[...]
        isv = is_ref[...]
        u = uw_ref[:, 0:D]
        i = iw_ref[:, 0:D]
        for m in range(1, RPW_TAB):
            sl = slice(m * D, (m + 1) * D)
            u = jnp.where(us == m, uw_ref[:, sl], u)
            i = jnp.where(isv == m, iw_ref[:, sl], i)
        proj = jnp.dot(u, wt_ref[...],
                       preferred_element_type=jnp.float32) + b_ref[...]
        o_ref[...] = jnp.sum(proj * i, axis=1)

    grid = B // TC_BS
    return pl.pallas_call(
        body,
        grid=(grid,),
        in_specs=[
            pl.BlockSpec((TC_BS, WIDE), lambda g: (g, 0)),
            pl.BlockSpec((TC_BS, WIDE), lambda g: (g, 0)),
            pl.BlockSpec((TC_BS, 1), lambda g: (g, 0)),
            pl.BlockSpec((TC_BS, 1), lambda g: (g, 0)),
            pl.BlockSpec((D, D), lambda g: (0, 0)),
            pl.BlockSpec((1, D), lambda g: (0, 0)),
        ],
        out_specs=pl.BlockSpec((TC_BS,), lambda g: (g,)),
        out_shape=jax.ShapeDtypeStruct((B,), jnp.float32),
    )(uwide, iwide, usub, isub, wt, b2)


def kernel(x, uid_table, iid_table, W, b):
    eye = jnp.eye(D, dtype=jnp.float32)
    utab_w = _tc_format(uid_table.T, eye, uid_table.shape[0])
    itab_w = _tc_format(iid_table.T, eye, iid_table.shape[0])
    ru, ri = x[:, 0], x[:, 1]
    uidx = (FMT_ROWS * (ru // FMT_COLS) + ru % FMT_ROWS).reshape(NW, NCH, CHUNK)
    iidx = (FMT_ROWS * (ri // FMT_COLS) + ri % FMT_ROWS).reshape(NW, NCH, CHUNK)
    usub = ((ru // FMT_ROWS) & (RPW_TAB - 1)).reshape(B, 1)
    isub = ((ri // FMT_ROWS) & (RPW_TAB - 1)).reshape(B, 1)
    uwide, iwide = _sc_gather_wide(uidx, iidx, utab_w, itab_w)
    return _tc_combine(uwide, iwide, usub, isub, W.T, b.reshape(1, D))

# --- scband reference (transcript-rebuilt; emitter-appended) ---
"""Pipeline reference for scband-dnnbase-8529805050265 (READ-ONLY COPY).

The authoritative reference and input builder live on the scoring server;
editing this copy changes nothing except your own understanding.
"""

import jax, jax.numpy as jnp
import numpy as np

UID_ALL = 1000000
IID_ALL = 1000000
EMB_DIM = 32
BATCH = 16384


def setup_inputs(seed: int = 0) -> dict:
    key = jax.random.key(seed)
    k0, k1, k2, k3 = jax.random.split(key, 4)
    x = jax.random.randint(k0, (BATCH, 2), 0, UID_ALL, dtype=jnp.int64 if jax.config.jax_enable_x64 else jnp.int32).astype(jnp.int32)
    uid_table = jax.random.normal(k1, (UID_ALL, EMB_DIM), dtype=jnp.float32) * 0.02
    iid_table = jax.random.normal(k2, (IID_ALL + 1, EMB_DIM), dtype=jnp.float32) * 0.02
    W = jax.random.normal(k3, (EMB_DIM, EMB_DIM), dtype=jnp.float32) * (1.0 / np.sqrt(EMB_DIM))
    b = jnp.zeros((EMB_DIM,), dtype=jnp.float32)
    return {"x": x, "uid_table": uid_table, "iid_table": iid_table, "W": W, "b": b}


def reference(x, uid_table, iid_table, W, b):
    # uid_embedding lookup: x[:, 0]
    uid_emb = jnp.take(uid_table, x[:, 0], axis=0)  # [B, emb_dim]
    # iid_embedding lookup: x[:, 1]
    iid_emb = jnp.take(iid_table, x[:, 1], axis=0)  # [B, emb_dim]
    # linear(uid_emb) -> torch Linear: y = x @ W.T + b
    proj = uid_emb @ W.T + b  # [B, emb_dim]
    out = jnp.sum(proj * iid_emb, axis=1)  # [B]
    return out

if __name__ == "__main__":
    import jax
    _d = setup_inputs()
    print(jax.jit(kernel)(*tuple(_d.values())))

</pallas_src>

<mosaic_0001>
#map = affine_map<(d0, d1) -> (0, 0, 0)>
#map1 = affine_map<(d0, d1) -> (0, 0)>
module attributes {stable_mosaic.version = 14 : i64} {
  func.func @k(%arg0: i32, %arg1: i32, %arg2: memref<32x4x128xi32, #tpu.memory_space<hbm>>, %arg3: memref<32x4x128xi32, #tpu.memory_space<hbm>>, %arg4: memref<253952x128xf32, #tpu.memory_space<hbm>>, %arg5: memref<253952x128xf32, #tpu.memory_space<hbm>>, %arg6: memref<16384x128xf32, #tpu.memory_space<hbm>>, %arg7: memref<16384x128xf32, #tpu.memory_space<hbm>>, %arg8: memref<4x128xi32, #tpu.memory_space<vmem>>, %arg9: memref<4x128xi32, #tpu.memory_space<vmem>>, %arg10: memref<2x128x128xf32, #tpu.memory_space<vmem>>, %arg11: memref<2x128x128xf32, #tpu.memory_space<vmem>>, %arg12: memref<!tpu.dma_semaphore, #tpu.memory_space<semaphore_mem>>) attributes {dimension_semantics = [#tpu.dimension_semantics<core_parallel>, #tpu.dimension_semantics<subcore_parallel>], iteration_bounds = array<i64: 2, 16>, scalar_prefetch = 0 : i64, scratch_operands = 5 : i64, tpu.core_type = #tpu.core_type<sc_vector_subcore>, window_params = [{transform_indices = #map}, {transform_indices = #map}, {transform_indices = #map1}, {transform_indices = #map1}, {transform_indices = #map1}, {transform_indices = #map1}]} {
    %mul3A = arith.constant 2 : i32
    %mul3A_0 = arith.muli %arg1, %mul3A : i32
    %add3A = arith.addi %mul3A_0, %arg0 : i32
    %mul3A_1 = arith.constant 512 : i32
    %mul3A_2 = arith.muli %add3A, %mul3A_1 : i32
    "tpu.region"() ({
      %run_scoped3A_208 = tpu.sem_alloc : memref<!tpu.dma_semaphore, #tpu.memory_space<semaphore_mem>>
      %dma_start3A_209 = arith.constant 0 : i32
      %dma_start3A_210 = arith.constant 0 : i32
      %dma_start3A_211 = tpu.memref_slice %arg2[%add3A, %dma_start3A_209, %dma_start3A_210] : memref<32x4x128xi32, #tpu.memory_space<hbm>> -> memref<1x4x128xi32, #tpu.memory_space<hbm>>
      %dma_start3A_212 = tpu.memref_squeeze %dma_start3A_211 : memref<1x4x128xi32, #tpu.memory_space<hbm>> -> memref<4x128xi32, #tpu.memory_space<hbm>>
      %dma_start3A_213 = arith.constant 0 : i32
      %dma_start3A_214 = arith.constant 0 : i32
      %dma_start3A_215 = tpu.memref_slice %arg2[%add3A, %dma_start3A_213, %dma_start3A_214] : memref<32x4x128xi32, #tpu.memory_space<hbm>> -> memref<1x4x128xi32, #tpu.memory_space<hbm>>
      %dma_start3A_216 = tpu.memref_squeeze %dma_start3A_215 : memref<1x4x128xi32, #tpu.memory_space<hbm>> -> memref<4x128xi32, #tpu.memory_space<hbm>>
      tpu.enqueue_dma source(%dma_start3A_216 : memref<4x128xi32, #tpu.memory_space<hbm>>) target(%arg8 : memref<4x128xi32, #tpu.memory_space<vmem>>) target_semaphore(%run_scoped3A_208 : memref<!tpu.dma_semaphore, #tpu.memory_space<semaphore_mem>>)
      %dma_wait3A_217 = arith.constant 0 : i32
      %dma_wait3A_218 = arith.constant 0 : i32
      %dma_wait3A_219 = tpu.memref_slice %arg2[%add3A, %dma_wait3A_217, %dma_wait3A_218] : memref<32x4x128xi32, #tpu.memory_space<hbm>> -> memref<1x4x128xi32, #tpu.memory_space<hbm>>
      %dma_wait3A_220 = tpu.memref_squeeze %dma_wait3A_219 : memref<1x4x128xi32, #tpu.memory_space<hbm>> -> memref<4x128xi32, #tpu.memory_space<hbm>>
      %dma_wait3A_221 = arith.constant 0 : i32
      %dma_wait3A_222 = arith.constant 0 : i32
      %dma_wait3A_223 = tpu.memref_slice %arg2[%add3A, %dma_wait3A_221, %dma_wait3A_222] : memref<32x4x128xi32, #tpu.memory_space<hbm>> -> memref<1x4x128xi32, #tpu.memory_space<hbm>>
      %dma_wait3A_224 = tpu.memref_squeeze %dma_wait3A_223 : memref<1x4x128xi32, #tpu.memory_space<hbm>> -> memref<4x128xi32, #tpu.memory_space<hbm>>
      tpu.wait_dma2 semaphore(%run_scoped3A_208 : memref<!tpu.dma_semaphore, #tpu.memory_space<semaphore_mem>>) src(%dma_wait3A_224 : memref<4x128xi32, #tpu.memory_space<hbm>>) dst(%arg8 : memref<4x128xi32, #tpu.memory_space<vmem>>)
      tpu.yield
    }) : () -> ()
    "tpu.region"() ({
      %run_scoped3A_208 = tpu.sem_alloc : memref<!tpu.dma_semaphore, #tpu.memory_space<semaphore_mem>>
      %dma_start3A_209 = arith.constant 0 : i32
      %dma_start3A_210 = arith.constant 0 : i32
      %dma_start3A_211 = tpu.memref_slice %arg3[%add3A, %dma_start3A_209, %dma_start3A_210] : memref<32x4x128xi32, #tpu.memory_space<hbm>> -> memref<1x4x128xi32, #tpu.memory_space<hbm>>
      %dma_start3A_212 = tpu.memref_squeeze %dma_start3A_211 : memref<1x4x128xi32, #tpu.memory_space<hbm>> -> memref<4x128xi32, #tpu.memory_space<hbm>>
      %dma_start3A_213 = arith.constant 0 : i32
      %dma_start3A_214 = arith.constant 0 : i32
      %dma_start3A_215 = tpu.memref_slice %arg3[%add3A, %dma_start3A_213, %dma_start3A_214] : memref<32x4x128xi32, #tpu.memory_space<hbm>> -> memref<1x4x128xi32, #tpu.memory_space<hbm>>
      %dma_start3A_216 = tpu.memref_squeeze %dma_start3A_215 : memref<1x4x128xi32, #tpu.memory_space<hbm>> -> memref<4x128xi32, #tpu.memory_space<hbm>>
      tpu.enqueue_dma source(%dma_start3A_216 : memref<4x128xi32, #tpu.memory_space<hbm>>) target(%arg9 : memref<4x128xi32, #tpu.memory_space<vmem>>) target_semaphore(%run_scoped3A_208 : memref<!tpu.dma_semaphore, #tpu.memory_space<semaphore_mem>>)
      %dma_wait3A_217 = arith.constant 0 : i32
      %dma_wait3A_218 = arith.constant 0 : i32
      %dma_wait3A_219 = tpu.memref_slice %arg3[%add3A, %dma_wait3A_217, %dma_wait3A_218] : memref<32x4x128xi32, #tpu.memory_space<hbm>> -> memref<1x4x128xi32, #tpu.memory_space<hbm>>
      %dma_wait3A_220 = tpu.memref_squeeze %dma_wait3A_219 : memref<1x4x128xi32, #tpu.memory_space<hbm>> -> memref<4x128xi32, #tpu.memory_space<hbm>>
      %dma_wait3A_221 = arith.constant 0 : i32
      %dma_wait3A_222 = arith.constant 0 : i32
      %dma_wait3A_223 = tpu.memref_slice %arg3[%add3A, %dma_wait3A_221, %dma_wait3A_222] : memref<32x4x128xi32, #tpu.memory_space<hbm>> -> memref<1x4x128xi32, #tpu.memory_space<hbm>>
      %dma_wait3A_224 = tpu.memref_squeeze %dma_wait3A_223 : memref<1x4x128xi32, #tpu.memory_space<hbm>> -> memref<4x128xi32, #tpu.memory_space<hbm>>
      tpu.wait_dma2 semaphore(%run_scoped3A_208 : memref<!tpu.dma_semaphore, #tpu.memory_space<semaphore_mem>>) src(%dma_wait3A_224 : memref<4x128xi32, #tpu.memory_space<hbm>>) dst(%arg9 : memref<4x128xi32, #tpu.memory_space<vmem>>)
      tpu.yield
    }) : () -> ()
    %dma_start3A = arith.constant 0 : i32
    %dma_start3A_3 = arith.constant 0 : i32
    %dma_start3A_4 = arith.constant 0 : i32
    %dma_start3A_5 = arith.constant 0 : i32
    %dma_start3A_6 = tpu.memref_slice %arg10[%dma_start3A_3, %dma_start3A_4, %dma_start3A_5] : memref<2x128x128xf32, #tpu.memory_space<vmem>> -> memref<1x128x128xf32, #tpu.memory_space<vmem>>
    %dma_start3A_7 = tpu.memref_squeeze %dma_start3A_6 : memref<1x128x128xf32, #tpu.memory_space<vmem>> -> memref<128x128xf32, #tpu.memory_space<vmem>>
    %dma_start3A_8 = arith.constant 0 : i32
    %dma_start3A_9 = tpu.memref_slice %arg8[%dma_start3A, %dma_start3A_8] : memref<4x128xi32, #tpu.memory_space<vmem>> -> memref<1x128xi32, #tpu.memory_space<vmem>>
    %dma_start3A_10 = tpu.memref_squeeze %dma_start3A_9 : memref<1x128xi32, #tpu.memory_space<vmem>> -> memref<128xi32, #tpu.memory_space<vmem>>
    %dma_start3A_11 = arith.constant 0 : i32
    %dma_start3A_12 = arith.constant 0 : i32
    %dma_start3A_13 = tpu.memref_slice %arg4[%dma_start3A_11, %dma_start3A_12] : memref<253952x128xf32, #tpu.memory_space<hbm>> -> memref<253952x128xf32, #tpu.memory_space<hbm>>
    tpu.enqueue_indirect_dma source(%dma_start3A_13 : memref<253952x128xf32, #tpu.memory_space<hbm>>) target(%dma_start3A_7 : memref<128x128xf32, #tpu.memory_space<vmem>>) offsets(%dma_start3A_10 : memref<128xi32, #tpu.memory_space<vmem>>) semaphore(%arg12 : memref<!tpu.dma_semaphore, #tpu.memory_space<semaphore_mem>>)
    %dma_start3A_14 = arith.constant 0 : i32
    %dma_start3A_15 = arith.constant 0 : i32
    %dma_start3A_16 = arith.constant 0 : i32
    %dma_start3A_17 = arith.constant 0 : i32
    %dma_start3A_18 = tpu.memref_slice %arg11[%dma_start3A_15, %dma_start3A_16, %dma_start3A_17] : memref<2x128x128xf32, #tpu.memory_space<vmem>> -> memref<1x128x128xf32, #tpu.memory_space<vmem>>
    %dma_start3A_19 = tpu.memref_squeeze %dma_start3A_18 : memref<1x128x128xf32, #tpu.memory_space<vmem>> -> memref<128x128xf32, #tpu.memory_space<vmem>>
    %dma_start3A_20 = arith.constant 0 : i32
    %dma_start3A_21 = tpu.memref_slice %arg9[%dma_start3A_14, %dma_start3A_20] : memref<4x128xi32, #tpu.memory_space<vmem>> -> memref<1x128xi32, #tpu.memory_space<vmem>>
    %dma_start3A_22 = tpu.memref_squeeze %dma_start3A_21 : memref<1x128xi32, #tpu.memory_space<vmem>> -> memref<128xi32, #tpu.memory_space<vmem>>
    %dma_start3A_23 = arith.constant 0 : i32
    %dma_start3A_24 = arith.constant 0 : i32
    %dma_start3A_25 = tpu.memref_slice %arg5[%dma_start3A_23, %dma_start3A_24] : memref<253952x128xf32, #tpu.memory_space<hbm>> -> memref<253952x128xf32, #tpu.memory_space<hbm>>
    tpu.enqueue_indirect_dma source(%dma_start3A_25 : memref<253952x128xf32, #tpu.memory_space<hbm>>) target(%dma_start3A_19 : memref<128x128xf32, #tpu.memory_space<vmem>>) offsets(%dma_start3A_22 : memref<128xi32, #tpu.memory_space<vmem>>) semaphore(%arg12 : memref<!tpu.dma_semaphore, #tpu.memory_space<semaphore_mem>>)
    %dma_start3A_26 = arith.constant 1 : i32
    %dma_start3A_27 = arith.constant 1 : i32
    %dma_start3A_28 = arith.constant 0 : i32
    %dma_start3A_29 = arith.constant 0 : i32
    %dma_start3A_30 = tpu.memref_slice %arg10[%dma_start3A_27, %dma_start3A_28, %dma_start3A_29] : memref<2x128x128xf32, #tpu.memory_space<vmem>> -> memref<1x128x128xf32, #tpu.memory_space<vmem>>
    %dma_start3A_31 = tpu.memref_squeeze %dma_start3A_30 : memref<1x128x128xf32, #tpu.memory_space<vmem>> -> memref<128x128xf32, #tpu.memory_space<vmem>>
    %dma_start3A_32 = arith.constant 0 : i32
    %dma_start3A_33 = tpu.memref_slice %arg8[%dma_start3A_26, %dma_start3A_32] : memref<4x128xi32, #tpu.memory_space<vmem>> -> memref<1x128xi32, #tpu.memory_space<vmem>>
    %dma_start3A_34 = tpu.memref_squeeze %dma_start3A_33 : memref<1x128xi32, #tpu.memory_space<vmem>> -> memref<128xi32, #tpu.memory_space<vmem>>
    %dma_start3A_35 = arith.constant 0 : i32
    %dma_start3A_36 = arith.constant 0 : i32
    %dma_start3A_37 = tpu.memref_slice %arg4[%dma_start3A_35, %dma_start3A_36] : memref<253952x128xf32, #tpu.memory_space<hbm>> -> memref<253952x128xf32, #tpu.memory_space<hbm>>
    tpu.enqueue_indirect_dma source(%dma_start3A_37 : memref<253952x128xf32, #tpu.memory_space<hbm>>) target(%dma_start3A_31 : memref<128x128xf32, #tpu.memory_space<vmem>>) offsets(%dma_start3A_34 : memref<128xi32, #tpu.memory_space<vmem>>) semaphore(%arg12 : memref<!tpu.dma_semaphore, #tpu.memory_space<semaphore_mem>>)
    %dma_start3A_38 = arith.constant 1 : i32
    %dma_start3A_39 = arith.constant 1 : i32
    %dma_start3A_40 = arith.constant 0 : i32
    %dma_start3A_41 = arith.constant 0 : i32
    %dma_start3A_42 = tpu.memref_slice %arg11[%dma_start3A_39, %dma_start3A_40, %dma_start3A_41] : memref<2x128x128xf32, #tpu.memory_space<vmem>> -> memref<1x128x128xf32, #tpu.memory_space<vmem>>
    %dma_start3A_43 = tpu.memref_squeeze %dma_start3A_42 : memref<1x128x128xf32, #tpu.memory_space<vmem>> -> memref<128x128xf32, #tpu.memory_space<vmem>>
    %dma_start3A_44 = arith.constant 0 : i32
    %dma_start3A_45 = tpu.memref_slice %arg9[%dma_start3A_38, %dma_start3A_44] : memref<4x128xi32, #tpu.memory_space<vmem>> -> memref<1x128xi32, #tpu.memory_space<vmem>>
    %dma_start3A_46 = tpu.memref_squeeze %dma_start3A_45 : memref<1x128xi32, #tpu.memory_space<vmem>> -> memref<128xi32, #tpu.memory_space<vmem>>
    %dma_start3A_47 = arith.constant 0 : i32
    %dma_start3A_48 = arith.constant 0 : i32
    %dma_start3A_49 = tpu.memref_slice %arg5[%dma_start3A_47, %dma_start3A_48] : memref<253952x128xf32, #tpu.memory_space<hbm>> -> memref<253952x128xf32, #tpu.memory_space<hbm>>
    tpu.enqueue_indirect_dma source(%dma_start3A_49 : memref<253952x128xf32, #tpu.memory_space<hbm>>) target(%dma_start3A_43 : memref<128x128xf32, #tpu.memory_space<vmem>>) offsets(%dma_start3A_46 : memref<128xi32, #tpu.memory_space<vmem>>) semaphore(%arg12 : memref<!tpu.dma_semaphore, #tpu.memory_space<semaphore_mem>>)
    %dma_wait3A = arith.constant 0 : i32
    %dma_wait3A_50 = arith.constant 0 : i32
    %dma_wait3A_51 = arith.constant 0 : i32
    %dma_wait3A_52 = arith.constant 0 : i32
    %dma_wait3A_53 = tpu.memref_slice %arg10[%dma_wait3A_50, %dma_wait3A_51, %dma_wait3A_52] : memref<2x128x128xf32, #tpu.memory_space<vmem>> -> memref<1x128x128xf32, #tpu.memory_space<vmem>>
    %dma_wait3A_54 = tpu.memref_squeeze %dma_wait3A_53 : memref<1x128x128xf32, #tpu.memory_space<vmem>> -> memref<128x128xf32, #tpu.memory_space<vmem>>
    %dma_wait3A_55 = arith.constant 0 : i32
    %dma_wait3A_56 = tpu.memref_slice %arg8[%dma_wait3A, %dma_wait3A_55] : memref<4x128xi32, #tpu.memory_space<vmem>> -> memref<1x128xi32, #tpu.memory_space<vmem>>
    %dma_wait3A_57 = tpu.memref_squeeze %dma_wait3A_56 : memref<1x128xi32, #tpu.memory_space<vmem>> -> memref<128xi32, #tpu.memory_space<vmem>>
    %dma_wait3A_58 = arith.constant 0 : i32
    %dma_wait3A_59 = arith.constant 0 : i32
    %dma_wait3A_60 = tpu.memref_slice %arg4[%dma_wait3A_58, %dma_wait3A_59] : memref<253952x128xf32, #tpu.memory_space<hbm>> -> memref<253952x128xf32, #tpu.memory_space<hbm>>
    tpu.wait_indirect_dma semaphore(%arg12 : memref<!tpu.dma_semaphore, #tpu.memory_space<semaphore_mem>>) src(%dma_wait3A_60 : memref<253952x128xf32, #tpu.memory_space<hbm>>) dst(%dma_wait3A_54 : memref<128x128xf32, #tpu.memory_space<vmem>>)
    %dma_wait3A_61 = arith.constant 0 : i32
    %dma_wait3A_62 = arith.constant 0 : i32
    %dma_wait3A_63 = arith.constant 0 : i32
    %dma_wait3A_64 = arith.constant 0 : i32
    %dma_wait3A_65 = tpu.memref_slice %arg11[%dma_wait3A_62, %dma_wait3A_63, %dma_wait3A_64] : memref<2x128x128xf32, #tpu.memory_space<vmem>> -> memref<1x128x128xf32, #tpu.memory_space<vmem>>
    %dma_wait3A_66 = tpu.memref_squeeze %dma_wait3A_65 : memref<1x128x128xf32, #tpu.memory_space<vmem>> -> memref<128x128xf32, #tpu.memory_space<vmem>>
    %dma_wait3A_67 = arith.constant 0 : i32
    %dma_wait3A_68 = tpu.memref_slice %arg9[%dma_wait3A_61, %dma_wait3A_67] : memref<4x128xi32, #tpu.memory_space<vmem>> -> memref<1x128xi32, #tpu.memory_space<vmem>>
    %dma_wait3A_69 = tpu.memref_squeeze %dma_wait3A_68 : memref<1x128xi32, #tpu.memory_space<vmem>> -> memref<128xi32, #tpu.memory_space<vmem>>
    %dma_wait3A_70 = arith.constant 0 : i32
    %dma_wait3A_71 = arith.constant 0 : i32
    %dma_wait3A_72 = tpu.memref_slice %arg5[%dma_wait3A_70, %dma_wait3A_71] : memref<253952x128xf32, #tpu.memory_space<hbm>> -> memref<253952x128xf32, #tpu.memory_space<hbm>>
    tpu.wait_indirect_dma semaphore(%arg12 : memref<!tpu.dma_semaphore, #tpu.memory_space<semaphore_mem>>) src(%dma_wait3A_72 : memref<253952x128xf32, #tpu.memory_space<hbm>>) dst(%dma_wait3A_66 : memref<128x128xf32, #tpu.memory_space<vmem>>)
    %add3A_73 = arith.constant 0 : i32
    %add3A_74 = arith.addi %mul3A_2, %add3A_73 : i32
    %run_scoped3A = arith.constant 0 : i32
    "tpu.region"() ({
      %run_scoped3A_208 = tpu.sem_alloc : memref<!tpu.dma_semaphore, #tpu.memory_space<semaphore_mem>>
      %dma_start3A_209 = arith.constant 0 : i32
      %dma_start3A_210 = arith.constant 0 : i32
      %dma_start3A_211 = tpu.memref_slice %arg10[%run_scoped3A, %dma_start3A_209, %dma_start3A_210] : memref<2x128x128xf32, #tpu.memory_space<vmem>> -> memref<1x128x128xf32, #tpu.memory_space<vmem>>
      %dma_start3A_212 = tpu.memref_squeeze %dma_start3A_211 : memref<1x128x128xf32, #tpu.memory_space<vmem>> -> memref<128x128xf32, #tpu.memory_space<vmem>>
      %dma_start3A_213 = arith.constant 0 : i32
      %dma_start3A_214 = tpu.memref_slice %arg6[%add3A_74, %dma_start3A_213] : memref<16384x128xf32, #tpu.memory_space<hbm>> -> memref<128x128xf32, #tpu.memory_space<hbm>>
      %dma_start3A_215 = arith.constant 0 : i32
      %dma_start3A_216 = tpu.memref_slice %arg6[%add3A_74, %dma_start3A_215] : memref<16384x128xf32, #tpu.memory_space<hbm>> -> memref<128x128xf32, #tpu.memory_space<hbm>>
      %dma_start3A_217 = arith.constant 0 : i32
      %dma_start3A_218 = arith.constant 0 : i32
      %dma_start3A_219 = tpu.memref_slice %arg10[%run_scoped3A, %dma_start3A_217, %dma_start3A_218] : memref<2x128x128xf32, #tpu.memory_space<vmem>> -> memref<1x128x128xf32, #tpu.memory_space<vmem>>
      %dma_start3A_220 = tpu.memref_squeeze %dma_start3A_219 : memref<1x128x128xf32, #tpu.memory_space<vmem>> -> memref<128x128xf32, #tpu.memory_space<vmem>>
      tpu.enqueue_dma source(%dma_start3A_220 : memref<128x128xf32, #tpu.memory_space<vmem>>) target(%dma_start3A_216 : memref<128x128xf32, #tpu.memory_space<hbm>>) target_semaphore(%run_scoped3A_208 : memref<!tpu.dma_semaphore, #tpu.memory_space<semaphore_mem>>)
      %dma_wait3A_221 = arith.constant 0 : i32
      %dma_wait3A_222 = arith.constant 0 : i32
      %dma_wait3A_223 = tpu.memref_slice %arg10[%run_scoped3A, %dma_wait3A_221, %dma_wait3A_222] : memref<2x128x128xf32, #tpu.memory_space<vmem>> -> memref<1x128x128xf32, #tpu.memory_space<vmem>>
      %dma_wait3A_224 = tpu.memref_squeeze %dma_wait3A_223 : memref<1x128x128xf32, #tpu.memory_space<vmem>> -> memref<128x128xf32, #tpu.memory_space<vmem>>
      %dma_wait3A_225 = arith.constant 0 : i32
      %dma_wait3A_226 = tpu.memref_slice %arg6[%add3A_74, %dma_wait3A_225] : memref<16384x128xf32, #tpu.memory_space<hbm>> -> memref<128x128xf32, #tpu.memory_space<hbm>>
      %dma_wait3A_227 = arith.constant 0 : i32
      %dma_wait3A_228 = tpu.memref_slice %arg6[%add3A_74, %dma_wait3A_227] : memref<16384x128xf32, #tpu.memory_space<hbm>> -> memref<128x128xf32, #tpu.memory_space<hbm>>
      %dma_wait3A_229 = arith.constant 0 : i32
      %dma_wait3A_230 = arith.constant 0 : i32
      %dma_wait3A_231 = tpu.memref_slice %arg10[%run_scoped3A, %dma_wait3A_229, %dma_wait3A_230] : memref<2x128x128xf32, #tpu.memory_space<vmem>> -> memref<1x128x128xf32, #tpu.memory_space<vmem>>
      %dma_wait3A_232 = tpu.memref_squeeze %dma_wait3A_231 : memref<1x128x128xf32, #tpu.memory_space<vmem>> -> memref<128x128xf32, #tpu.memory_space<vmem>>
      tpu.wait_dma2 semaphore(%run_scoped3A_208 : memref<!tpu.dma_semaphore, #tpu.memory_space<semaphore_mem>>) src(%dma_wait3A_232 : memref<128x128xf32, #tpu.memory_space<vmem>>) dst(%dma_wait3A_228 : memref<128x128xf32, #tpu.memory_space<hbm>>)
      tpu.yield
    }) : () -> ()
    %run_scoped3A_75 = arith.constant 0 : i32
    "tpu.region"() ({
      %run_scoped3A_208 = tpu.sem_alloc : memref<!tpu.dma_semaphore, #tpu.memory_space<semaphore_mem>>
      %dma_start3A_209 = arith.constant 0 : i32
      %dma_start3A_210 = arith.constant 0 : i32
      %dma_start3A_211 = tpu.memref_slice %arg11[%run_scoped3A_75, %dma_start3A_209, %dma_start3A_210] : memref<2x128x128xf32, #tpu.memory_space<vmem>> -> memref<1x128x128xf32, #tpu.memory_space<vmem>>
      %dma_start3A_212 = tpu.memref_squeeze %dma_start3A_211 : memref<1x128x128xf32, #tpu.memory_space<vmem>> -> memref<128x128xf32, #tpu.memory_space<vmem>>
      %dma_start3A_213 = arith.constant 0 : i32
      %dma_start3A_214 = tpu.memref_slice %arg7[%add3A_74, %dma_start3A_213] : memref<16384x128xf32, #tpu.memory_space<hbm>> -> memref<128x128xf32, #tpu.memory_space<hbm>>
      %dma_start3A_215 = arith.constant 0 : i32
      %dma_start3A_216 = tpu.memref_slice %arg7[%add3A_74, %dma_start3A_215] : memref<16384x128xf32, #tpu.memory_space<hbm>> -> memref<128x128xf32, #tpu.memory_space<hbm>>
      %dma_start3A_217 = arith.constant 0 : i32
      %dma_start3A_218 = arith.constant 0 : i32
      %dma_start3A_219 = tpu.memref_slice %arg11[%run_scoped3A_75, %dma_start3A_217, %dma_start3A_218] : memref<2x128x128xf32, #tpu.memory_space<vmem>> -> memref<1x128x128xf32, #tpu.memory_space<vmem>>
      %dma_start3A_220 = tpu.memref_squeeze %dma_start3A_219 : memref<1x128x128xf32, #tpu.memory_space<vmem>> -> memref<128x128xf32, #tpu.memory_space<vmem>>
      tpu.enqueue_dma source(%dma_start3A_220 : memref<128x128xf32, #tpu.memory_space<vmem>>) target(%dma_start3A_216 : memref<128x128xf32, #tpu.memory_space<hbm>>) target_semaphore(%run_scoped3A_208 : memref<!tpu.dma_semaphore, #tpu.memory_space<semaphore_mem>>)
      %dma_wait3A_221 = arith.constant 0 : i32
      %dma_wait3A_222 = arith.constant 0 : i32
      %dma_wait3A_223 = tpu.memref_slice %arg11[%run_scoped3A_75, %dma_wait3A_221, %dma_wait3A_222] : memref<2x128x128xf32, #tpu.memory_space<vmem>> -> memref<1x128x128xf32, #tpu.memory_space<vmem>>
      %dma_wait3A_224 = tpu.memref_squeeze %dma_wait3A_223 : memref<1x128x128xf32, #tpu.memory_space<vmem>> -> memref<128x128xf32, #tpu.memory_space<vmem>>
      %dma_wait3A_225 = arith.constant 0 : i32
      %dma_wait3A_226 = tpu.memref_slice %arg7[%add3A_74, %dma_wait3A_225] : memref<16384x128xf32, #tpu.memory_space<hbm>> -> memref<128x128xf32, #tpu.memory_space<hbm>>
      %dma_wait3A_227 = arith.constant 0 : i32
      %dma_wait3A_228 = tpu.memref_slice %arg7[%add3A_74, %dma_wait3A_227] : memref<16384x128xf32, #tpu.memory_space<hbm>> -> memref<128x128xf32, #tpu.memory_space<hbm>>
      %dma_wait3A_229 = arith.constant 0 : i32
      %dma_wait3A_230 = arith.constant 0 : i32
      %dma_wait3A_231 = tpu.memref_slice %arg11[%run_scoped3A_75, %dma_wait3A_229, %dma_wait3A_230] : memref<2x128x128xf32, #tpu.memory_space<vmem>> -> memref<1x128x128xf32, #tpu.memory_space<vmem>>
      %dma_wait3A_232 = tpu.memref_squeeze %dma_wait3A_231 : memref<1x128x128xf32, #tpu.memory_space<vmem>> -> memref<128x128xf32, #tpu.memory_space<vmem>>
      tpu.wait_dma2 semaphore(%run_scoped3A_208 : memref<!tpu.dma_semaphore, #tpu.memory_space<semaphore_mem>>) src(%dma_wait3A_232 : memref<128x128xf32, #tpu.memory_space<vmem>>) dst(%dma_wait3A_228 : memref<128x128xf32, #tpu.memory_space<hbm>>)
      tpu.yield
    }) : () -> ()
    %dma_start3A_76 = arith.constant 2 : i32
    %dma_start3A_77 = arith.constant 0 : i32
    %dma_start3A_78 = arith.constant 0 : i32
    %dma_start3A_79 = arith.constant 0 : i32
    %dma_start3A_80 = tpu.memref_slice %arg10[%dma_start3A_77, %dma_start3A_78, %dma_start3A_79] : memref<2x128x128xf32, #tpu.memory_space<vmem>> -> memref<1x128x128xf32, #tpu.memory_space<vmem>>
    %dma_start3A_81 = tpu.memref_squeeze %dma_start3A_80 : memref<1x128x128xf32, #tpu.memory_space<vmem>> -> memref<128x128xf32, #tpu.memory_space<vmem>>
    %dma_start3A_82 = arith.constant 0 : i32
    %dma_start3A_83 = tpu.memref_slice %arg8[%dma_start3A_76, %dma_start3A_82] : memref<4x128xi32, #tpu.memory_space<vmem>> -> memref<1x128xi32, #tpu.memory_space<vmem>>
    %dma_start3A_84 = tpu.memref_squeeze %dma_start3A_83 : memref<1x128xi32, #tpu.memory_space<vmem>> -> memref<128xi32, #tpu.memory_space<vmem>>
    %dma_start3A_85 = arith.constant 0 : i32
    %dma_start3A_86 = arith.constant 0 : i32
    %dma_start3A_87 = tpu.memref_slice %arg4[%dma_start3A_85, %dma_start3A_86] : memref<253952x128xf32, #tpu.memory_space<hbm>> -> memref<253952x128xf32, #tpu.memory_space<hbm>>
    tpu.enqueue_indirect_dma source(%dma_start3A_87 : memref<253952x128xf32, #tpu.memory_space<hbm>>) target(%dma_start3A_81 : memref<128x128xf32, #tpu.memory_space<vmem>>) offsets(%dma_start3A_84 : memref<128xi32, #tpu.memory_space<vmem>>) semaphore(%arg12 : memref<!tpu.dma_semaphore, #tpu.memory_space<semaphore_mem>>)
    %dma_start3A_88 = arith.constant 2 : i32
    %dma_start3A_89 = arith.constant 0 : i32
    %dma_start3A_90 = arith.constant 0 : i32
    %dma_start3A_91 = arith.constant 0 : i32
    %dma_start3A_92 = tpu.memref_slice %arg11[%dma_start3A_89, %dma_start3A_90, %dma_start3A_91] : memref<2x128x128xf32, #tpu.memory_space<vmem>> -> memref<1x128x128xf32, #tpu.memory_space<vmem>>
    %dma_start3A_93 = tpu.memref_squeeze %dma_start3A_92 : memref<1x128x128xf32, #tpu.memory_space<vmem>> -> memref<128x128xf32, #tpu.memory_space<vmem>>
    %dma_start3A_94 = arith.constant 0 : i32
    %dma_start3A_95 = tpu.memref_slice %arg9[%dma_start3A_88, %dma_start3A_94] : memref<4x128xi32, #tpu.memory_space<vmem>> -> memref<1x128xi32, #tpu.memory_space<vmem>>
    %dma_start3A_96 = tpu.memref_squeeze %dma_start3A_95 : memref<1x128xi32, #tpu.memory_space<vmem>> -> memref<128xi32, #tpu.memory_space<vmem>>
    %dma_start3A_97 = arith.constant 0 : i32
    %dma_start3A_98 = arith.constant 0 : i32
    %dma_start3A_99 = tpu.memref_slice %arg5[%dma_start3A_97, %dma_start3A_98] : memref<253952x128xf32, #tpu.memory_space<hbm>> -> memref<253952x128xf32, #tpu.memory_space<hbm>>
    tpu.enqueue_indirect_dma source(%dma_start3A_99 : memref<253952x128xf32, #tpu.memory_space<hbm>>) target(%dma_start3A_93 : memref<128x128xf32, #tpu.memory_space<vmem>>) offsets(%dma_start3A_96 : memref<128xi32, #tpu.memory_space<vmem>>) semaphore(%arg12 : memref<!tpu.dma_semaphore, #tpu.memory_space<semaphore_mem>>)
    %dma_wait3A_100 = arith.constant 1 : i32
    %dma_wait3A_101 = arith.constant 1 : i32
    %dma_wait3A_102 = arith.constant 0 : i32
    %dma_wait3A_103 = arith.constant 0 : i32
    %dma_wait3A_104 = tpu.memref_slice %arg10[%dma_wait3A_101, %dma_wait3A_102, %dma_wait3A_103] : memref<2x128x128xf32, #tpu.memory_space<vmem>> -> memref<1x128x128xf32, #tpu.memory_space<vmem>>
    %dma_wait3A_105 = tpu.memref_squeeze %dma_wait3A_104 : memref<1x128x128xf32, #tpu.memory_space<vmem>> -> memref<128x128xf32, #tpu.memory_space<vmem>>
    %dma_wait3A_106 = arith.constant 0 : i32
    %dma_wait3A_107 = tpu.memref_slice %arg8[%dma_wait3A_100, %dma_wait3A_106] : memref<4x128xi32, #tpu.memory_space<vmem>> -> memref<1x128xi32, #tpu.memory_space<vmem>>
    %dma_wait3A_108 = tpu.memref_squeeze %dma_wait3A_107 : memref<1x128xi32, #tpu.memory_space<vmem>> -> memref<128xi32, #tpu.memory_space<vmem>>
    %dma_wait3A_109 = arith.constant 0 : i32
    %dma_wait3A_110 = arith.constant 0 : i32
    %dma_wait3A_111 = tpu.memref_slice %arg4[%dma_wait3A_109, %dma_wait3A_110] : memref<253952x128xf32, #tpu.memory_space<hbm>> -> memref<253952x128xf32, #tpu.memory_space<hbm>>
    tpu.wait_indirect_dma semaphore(%arg12 : memref<!tpu.dma_semaphore, #tpu.memory_space<semaphore_mem>>) src(%dma_wait3A_111 : memref<253952x128xf32, #tpu.memory_space<hbm>>) dst(%dma_wait3A_105 : memref<128x128xf32, #tpu.memory_space<vmem>>)
    %dma_wait3A_112 = arith.constant 1 : i32
    %dma_wait3A_113 = arith.constant 1 : i32
    %dma_wait3A_114 = arith.constant 0 : i32
    %dma_wait3A_115 = arith.constant 0 : i32
    %dma_wait3A_116 = tpu.memref_slice %arg11[%dma_wait3A_113, %dma_wait3A_114, %dma_wait3A_115] : memref<2x128x128xf32, #tpu.memory_space<vmem>> -> memref<1x128x128xf32, #tpu.memory_space<vmem>>
    %dma_wait3A_117 = tpu.memref_squeeze %dma_wait3A_116 : memref<1x128x128xf32, #tpu.memory_space<vmem>> -> memref<128x128xf32, #tpu.memory_space<vmem>>
    %dma_wait3A_118 = arith.constant 0 : i32
    %dma_wait3A_119 = tpu.memref_slice %arg9[%dma_wait3A_112, %dma_wait3A_118] : memref<4x128xi32, #tpu.memory_space<vmem>> -> memref<1x128xi32, #tpu.memory_space<vmem>>
    %dma_wait3A_120 = tpu.memref_squeeze %dma_wait3A_119 : memref<1x128xi32, #tpu.memory_space<vmem>> -> memref<128xi32, #tpu.memory_space<vmem>>
    %dma_wait3A_121 = arith.constant 0 : i32
    %dma_wait3A_122 = arith.constant 0 : i32
    %dma_wait3A_123 = tpu.memref_slice %arg5[%dma_wait3A_121, %dma_wait3A_122] : memref<253952x128xf32, #tpu.memory_space<hbm>> -> memref<253952x128xf32, #tpu.memory_space<hbm>>
    tpu.wait_indirect_dma semaphore(%arg12 : memref<!tpu.dma_semaphore, #tpu.memory_space<semaphore_mem>>) src(%dma_wait3A_123 : memref<253952x128xf32, #tpu.memory_space<hbm>>) dst(%dma_wait3A_117 : memref<128x128xf32, #tpu.memory_space<vmem>>)
    %add3A_124 = arith.constant 128 : i32
    %add3A_125 = arith.addi %mul3A_2, %add3A_124 : i32
    %run_scoped3A_126 = arith.constant 1 : i32
    "tpu.region"() ({
      %run_scoped3A_208 = tpu.sem_alloc : memref<!tpu.dma_semaphore, #tpu.memory_space<semaphore_mem>>
      %dma_start3A_209 = arith.constant 0 : i32
      %dma_start3A_210 = arith.constant 0 : i32
      %dma_start3A_211 = tpu.memref_slice %arg10[%run_scoped3A_126, %dma_start3A_209, %dma_start3A_210] : memref<2x128x128xf32, #tpu.memory_space<vmem>> -> memref<1x128x128xf32, #tpu.memory_space<vmem>>
      %dma_start3A_212 = tpu.memref_squeeze %dma_start3A_211 : memref<1x128x128xf32, #tpu.memory_space<vmem>> -> memref<128x128xf32, #tpu.memory_space<vmem>>
      %dma_start3A_213 = arith.constant 0 : i32
      %dma_start3A_214 = tpu.memref_slice %arg6[%add3A_125, %dma_start3A_213] : memref<16384x128xf32, #tpu.memory_space<hbm>> -> memref<128x128xf32, #tpu.memory_space<hbm>>
      %dma_start3A_215 = arith.constant 0 : i32
      %dma_start3A_216 = tpu.memref_slice %arg6[%add3A_125, %dma_start3A_215] : memref<16384x128xf32, #tpu.memory_space<hbm>> -> memref<128x128xf32, #tpu.memory_space<hbm>>
      %dma_start3A_217 = arith.constant 0 : i32
      %dma_start3A_218 = arith.constant 0 : i32
      %dma_start3A_219 = tpu.memref_slice %arg10[%run_scoped3A_126, %dma_start3A_217, %dma_start3A_218] : memref<2x128x128xf32, #tpu.memory_space<vmem>> -> memref<1x128x128xf32, #tpu.memory_space<vmem>>
      %dma_start3A_220 = tpu.memref_squeeze %dma_start3A_219 : memref<1x128x128xf32, #tpu.memory_space<vmem>> -> memref<128x128xf32, #tpu.memory_space<vmem>>
      tpu.enqueue_dma source(%dma_start3A_220 : memref<128x128xf32, #tpu.memory_space<vmem>>) target(%dma_start3A_216 : memref<128x128xf32, #tpu.memory_space<hbm>>) target_semaphore(%run_scoped3A_208 : memref<!tpu.dma_semaphore, #tpu.memory_space<semaphore_mem>>)
      %dma_wait3A_221 = arith.constant 0 : i32
      %dma_wait3A_222 = arith.constant 0 : i32
      %dma_wait3A_223 = tpu.memref_slice %arg10[%run_scoped3A_126, %dma_wait3A_221, %dma_wait3A_222] : memref<2x128x128xf32, #tpu.memory_space<vmem>> -> memref<1x128x128xf32, #tpu.memory_space<vmem>>
      %dma_wait3A_224 = tpu.memref_squeeze %dma_wait3A_223 : memref<1x128x128xf32, #tpu.memory_space<vmem>> -> memref<128x128xf32, #tpu.memory_space<vmem>>
      %dma_wait3A_225 = arith.constant 0 : i32
      %dma_wait3A_226 = tpu.memref_slice %arg6[%add3A_125, %dma_wait3A_225] : memref<16384x128xf32, #tpu.memory_space<hbm>> -> memref<128x128xf32, #tpu.memory_space<hbm>>
      %dma_wait3A_227 = arith.constant 0 : i32
      %dma_wait3A_228 = tpu.memref_slice %arg6[%add3A_125, %dma_wait3A_227] : memref<16384x128xf32, #tpu.memory_space<hbm>> -> memref<128x128xf32, #tpu.memory_space<hbm>>
      %dma_wait3A_229 = arith.constant 0 : i32
      %dma_wait3A_230 = arith.constant 0 : i32
      %dma_wait3A_231 = tpu.memref_slice %arg10[%run_scoped3A_126, %dma_wait3A_229, %dma_wait3A_230] : memref<2x128x128xf32, #tpu.memory_space<vmem>> -> memref<1x128x128xf32, #tpu.memory_space<vmem>>
      %dma_wait3A_232 = tpu.memref_squeeze %dma_wait3A_231 : memref<1x128x128xf32, #tpu.memory_space<vmem>> -> memref<128x128xf32, #tpu.memory_space<vmem>>
      tpu.wait_dma2 semaphore(%run_scoped3A_208 : memref<!tpu.dma_semaphore, #tpu.memory_space<semaphore_mem>>) src(%dma_wait3A_232 : memref<128x128xf32, #tpu.memory_space<vmem>>) dst(%dma_wait3A_228 : memref<128x128xf32, #tpu.memory_space<hbm>>)
      tpu.yield
    }) : () -> ()
    %run_scoped3A_127 = arith.constant 1 : i32
    "tpu.region"() ({
      %run_scoped3A_208 = tpu.sem_alloc : memref<!tpu.dma_semaphore, #tpu.memory_space<semaphore_mem>>
      %dma_start3A_209 = arith.constant 0 : i32
      %dma_start3A_210 = arith.constant 0 : i32
      %dma_start3A_211 = tpu.memref_slice %arg11[%run_scoped3A_127, %dma_start3A_209, %dma_start3A_210] : memref<2x128x128xf32, #tpu.memory_space<vmem>> -> memref<1x128x128xf32, #tpu.memory_space<vmem>>
      %dma_start3A_212 = tpu.memref_squeeze %dma_start3A_211 : memref<1x128x128xf32, #tpu.memory_space<vmem>> -> memref<128x128xf32, #tpu.memory_space<vmem>>
      %dma_start3A_213 = arith.constant 0 : i32
      %dma_start3A_214 = tpu.memref_slice %arg7[%add3A_125, %dma_start3A_213] : memref<16384x128xf32, #tpu.memory_space<hbm>> -> memref<128x128xf32, #tpu.memory_space<hbm>>
      %dma_start3A_215 = arith.constant 0 : i32
      %dma_start3A_216 = tpu.memref_slice %arg7[%add3A_125, %dma_start3A_215] : memref<16384x128xf32, #tpu.memory_space<hbm>> -> memref<128x128xf32, #tpu.memory_space<hbm>>
      %dma_start3A_217 = arith.constant 0 : i32
      %dma_start3A_218 = arith.constant 0 : i32
      %dma_start3A_219 = tpu.memref_slice %arg11[%run_scoped3A_127, %dma_start3A_217, %dma_start3A_218] : memref<2x128x128xf32, #tpu.memory_space<vmem>> -> memref<1x128x128xf32, #tpu.memory_space<vmem>>
      %dma_start3A_220 = tpu.memref_squeeze %dma_start3A_219 : memref<1x128x128xf32, #tpu.memory_space<vmem>> -> memref<128x128xf32, #tpu.memory_space<vmem>>
      tpu.enqueue_dma source(%dma_start3A_220 : memref<128x128xf32, #tpu.memory_space<vmem>>) target(%dma_start3A_216 : memref<128x128xf32, #tpu.memory_space<hbm>>) target_semaphore(%run_scoped3A_208 : memref<!tpu.dma_semaphore, #tpu.memory_space<semaphore_mem>>)
      %dma_wait3A_221 = arith.constant 0 : i32
      %dma_wait3A_222 = arith.constant 0 : i32
      %dma_wait3A_223 = tpu.memref_slice %arg11[%run_scoped3A_127, %dma_wait3A_221, %dma_wait3A_222] : memref<2x128x128xf32, #tpu.memory_space<vmem>> -> memref<1x128x128xf32, #tpu.memory_space<vmem>>
      %dma_wait3A_224 = tpu.memref_squeeze %dma_wait3A_223 : memref<1x128x128xf32, #tpu.memory_space<vmem>> -> memref<128x128xf32, #tpu.memory_space<vmem>>
      %dma_wait3A_225 = arith.constant 0 : i32
      %dma_wait3A_226 = tpu.memref_slice %arg7[%add3A_125, %dma_wait3A_225] : memref<16384x128xf32, #tpu.memory_space<hbm>> -> memref<128x128xf32, #tpu.memory_space<hbm>>
      %dma_wait3A_227 = arith.constant 0 : i32
      %dma_wait3A_228 = tpu.memref_slice %arg7[%add3A_125, %dma_wait3A_227] : memref<16384x128xf32, #tpu.memory_space<hbm>> -> memref<128x128xf32, #tpu.memory_space<hbm>>
      %dma_wait3A_229 = arith.constant 0 : i32
      %dma_wait3A_230 = arith.constant 0 : i32
      %dma_wait3A_231 = tpu.memref_slice %arg11[%run_scoped3A_127, %dma_wait3A_229, %dma_wait3A_230] : memref<2x128x128xf32, #tpu.memory_space<vmem>> -> memref<1x128x128xf32, #tpu.memory_space<vmem>>
      %dma_wait3A_232 = tpu.memref_squeeze %dma_wait3A_231 : memref<1x128x128xf32, #tpu.memory_space<vmem>> -> memref<128x128xf32, #tpu.memory_space<vmem>>
      tpu.wait_dma2 semaphore(%run_scoped3A_208 : memref<!tpu.dma_semaphore, #tpu.memory_space<semaphore_mem>>) src(%dma_wait3A_232 : memref<128x128xf32, #tpu.memory_space<vmem>>) dst(%dma_wait3A_228 : memref<128x128xf32, #tpu.memory_space<hbm>>)
      tpu.yield
    }) : () -> ()
    %dma_start3A_128 = arith.constant 3 : i32
    %dma_start3A_129 = arith.constant 1 : i32
    %dma_start3A_130 = arith.constant 0 : i32
    %dma_start3A_131 = arith.constant 0 : i32
    %dma_start3A_132 = tpu.memref_slice %arg10[%dma_start3A_129, %dma_start3A_130, %dma_start3A_131] : memref<2x128x128xf32, #tpu.memory_space<vmem>> -> memref<1x128x128xf32, #tpu.memory_space<vmem>>
    %dma_start3A_133 = tpu.memref_squeeze %dma_start3A_132 : memref<1x128x128xf32, #tpu.memory_space<vmem>> -> memref<128x128xf32, #tpu.memory_space<vmem>>
    %dma_start3A_134 = arith.constant 0 : i32
    %dma_start3A_135 = tpu.memref_slice %arg8[%dma_start3A_128, %dma_start3A_134] : memref<4x128xi32, #tpu.memory_space<vmem>> -> memref<1x128xi32, #tpu.memory_space<vmem>>
    %dma_start3A_136 = tpu.memref_squeeze %dma_start3A_135 : memref<1x128xi32, #tpu.memory_space<vmem>> -> memref<128xi32, #tpu.memory_space<vmem>>
    %dma_start3A_137 = arith.constant 0 : i32
    %dma_start3A_138 = arith.constant 0 : i32
    %dma_start3A_139 = tpu.memref_slice %arg4[%dma_start3A_137, %dma_start3A_138] : memref<253952x128xf32, #tpu.memory_space<hbm>> -> memref<253952x128xf32, #tpu.memory_space<hbm>>
    tpu.enqueue_indirect_dma source(%dma_start3A_139 : memref<253952x128xf32, #tpu.memory_space<hbm>>) target(%dma_start3A_133 : memref<128x128xf32, #tpu.memory_space<vmem>>) offsets(%dma_start3A_136 : memref<128xi32, #tpu.memory_space<vmem>>) semaphore(%arg12 : memref<!tpu.dma_semaphore, #tpu.memory_space<semaphore_mem>>)
    %dma_start3A_140 = arith.constant 3 : i32
    %dma_start3A_141 = arith.constant 1 : i32
    %dma_start3A_142 = arith.constant 0 : i32
    %dma_start3A_143 = arith.constant 0 : i32
    %dma_start3A_144 = tpu.memref_slice %arg11[%dma_start3A_141, %dma_start3A_142, %dma_start3A_143] : memref<2x128x128xf32, #tpu.memory_space<vmem>> -> memref<1x128x128xf32, #tpu.memory_space<vmem>>
    %dma_start3A_145 = tpu.memref_squeeze %dma_start3A_144 : memref<1x128x128xf32, #tpu.memory_space<vmem>> -> memref<128x128xf32, #tpu.memory_space<vmem>>
    %dma_start3A_146 = arith.constant 0 : i32
    %dma_start3A_147 = tpu.memref_slice %arg9[%dma_start3A_140, %dma_start3A_146] : memref<4x128xi32, #tpu.memory_space<vmem>> -> memref<1x128xi32, #tpu.memory_space<vmem>>
    %dma_start3A_148 = tpu.memref_squeeze %dma_start3A_147 : memref<1x128xi32, #tpu.memory_space<vmem>> -> memref<128xi32, #tpu.memory_space<vmem>>
    %dma_start3A_149 = arith.constant 0 : i32
    %dma_start3A_150 = arith.constant 0 : i32
    %dma_start3A_151 = tpu.memref_slice %arg5[%dma_start3A_149, %dma_start3A_150] : memref<253952x128xf32, #tpu.memory_space<hbm>> -> memref<253952x128xf32, #tpu.memory_space<hbm>>
    tpu.enqueue_indirect_dma source(%dma_start3A_151 : memref<253952x128xf32, #tpu.memory_space<hbm>>) target(%dma_start3A_145 : memref<128x128xf32, #tpu.memory_space<vmem>>) offsets(%dma_start3A_148 : memref<128xi32, #tpu.memory_space<vmem>>) semaphore(%arg12 : memref<!tpu.dma_semaphore, #tpu.memory_space<semaphore_mem>>)
    %dma_wait3A_152 = arith.constant 2 : i32
    %dma_wait3A_153 = arith.constant 0 : i32
    %dma_wait3A_154 = arith.constant 0 : i32
    %dma_wait3A_155 = arith.constant 0 : i32
    %dma_wait3A_156 = tpu.memref_slice %arg10[%dma_wait3A_153, %dma_wait3A_154, %dma_wait3A_155] : memref<2x128x128xf32, #tpu.memory_space<vmem>> -> memref<1x128x128xf32, #tpu.memory_space<vmem>>
    %dma_wait3A_157 = tpu.memref_squeeze %dma_wait3A_156 : memref<1x128x128xf32, #tpu.memory_space<vmem>> -> memref<128x128xf32, #tpu.memory_space<vmem>>
    %dma_wait3A_158 = arith.constant 0 : i32
    %dma_wait3A_159 = tpu.memref_slice %arg8[%dma_wait3A_152, %dma_wait3A_158] : memref<4x128xi32, #tpu.memory_space<vmem>> -> memref<1x128xi32, #tpu.memory_space<vmem>>
    %dma_wait3A_160 = tpu.memref_squeeze %dma_wait3A_159 : memref<1x128xi32, #tpu.memory_space<vmem>> -> memref<128xi32, #tpu.memory_space<vmem>>
    %dma_wait3A_161 = arith.constant 0 : i32
    %dma_wait3A_162 = arith.constant 0 : i32
    %dma_wait3A_163 = tpu.memref_slice %arg4[%dma_wait3A_161, %dma_wait3A_162] : memref<253952x128xf32, #tpu.memory_space<hbm>> -> memref<253952x128xf32, #tpu.memory_space<hbm>>
    tpu.wait_indirect_dma semaphore(%arg12 : memref<!tpu.dma_semaphore, #tpu.memory_space<semaphore_mem>>) src(%dma_wait3A_163 : memref<253952x128xf32, #tpu.memory_space<hbm>>) dst(%dma_wait3A_157 : memref<128x128xf32, #tpu.memory_space<vmem>>)
    %dma_wait3A_164 = arith.constant 2 : i32
    %dma_wait3A_165 = arith.constant 0 : i32
    %dma_wait3A_166 = arith.constant 0 : i32
    %dma_wait3A_167 = arith.constant 0 : i32
    %dma_wait3A_168 = tpu.memref_slice %arg11[%dma_wait3A_165, %dma_wait3A_166, %dma_wait3A_167] : memref<2x128x128xf32, #tpu.memory_space<vmem>> -> memref<1x128x128xf32, #tpu.memory_space<vmem>>
    %dma_wait3A_169 = tpu.memref_squeeze %dma_wait3A_168 : memref<1x128x128xf32, #tpu.memory_space<vmem>> -> memref<128x128xf32, #tpu.memory_space<vmem>>
    %dma_wait3A_170 = arith.constant 0 : i32
    %dma_wait3A_171 = tpu.memref_slice %arg9[%dma_wait3A_164, %dma_wait3A_170] : memref<4x128xi32, #tpu.memory_space<vmem>> -> memref<1x128xi32, #tpu.memory_space<vmem>>
    %dma_wait3A_172 = tpu.memref_squeeze %dma_wait3A_171 : memref<1x128xi32, #tpu.memory_space<vmem>> -> memref<128xi32, #tpu.memory_space<vmem>>
    %dma_wait3A_173 = arith.constant 0 : i32
    %dma_wait3A_174 = arith.constant 0 : i32
    %dma_wait3A_175 = tpu.memref_slice %arg5[%dma_wait3A_173, %dma_wait3A_174] : memref<253952x128xf32, #tpu.memory_space<hbm>> -> memref<253952x128xf32, #tpu.memory_space<hbm>>
    tpu.wait_indirect_dma semaphore(%arg12 : memref<!tpu.dma_semaphore, #tpu.memory_space<semaphore_mem>>) src(%dma_wait3A_175 : memref<253952x128xf32, #tpu.memory_space<hbm>>) dst(%dma_wait3A_169 : memref<128x128xf32, #tpu.memory_space<vmem>>)
    %add3A_176 = arith.constant 256 : i32
    %add3A_177 = arith.addi %mul3A_2, %add3A_176 : i32
    %run_scoped3A_178 = arith.constant 0 : i32
    "tpu.region"() ({
      %run_scoped3A_208 = tpu.sem_alloc : memref<!tpu.dma_semaphore, #tpu.memory_space<semaphore_mem>>
      %dma_start3A_209 = arith.constant 0 : i32
      %dma_start3A_210 = arith.constant 0 : i32
      %dma_start3A_211 = tpu.memref_slice %arg10[%run_scoped3A_178, %dma_start3A_209, %dma_start3A_210] : memref<2x128x128xf32, #tpu.memory_space<vmem>> -> memref<1x128x128xf32, #tpu.memory_space<vmem>>
      %dma_start3A_212 = tpu.memref_squeeze %dma_start3A_211 : memref<1x128x128xf32, #tpu.memory_space<vmem>> -> memref<128x128xf32, #tpu.memory_space<vmem>>
      %dma_start3A_213 = arith.constant 0 : i32
      %dma_start3A_214 = tpu.memref_slice %arg6[%add3A_177, %dma_start3A_213] : memref<16384x128xf32, #tpu.memory_space<hbm>> -> memref<128x128xf32, #tpu.memory_space<hbm>>
      %dma_start3A_215 = arith.constant 0 : i32
      %dma_start3A_216 = tpu.memref_slice %arg6[%add3A_177, %dma_start3A_215] : memref<16384x128xf32, #tpu.memory_space<hbm>> -> memref<128x128xf32, #tpu.memory_space<hbm>>
      %dma_start3A_217 = arith.constant 0 : i32
      %dma_start3A_218 = arith.constant 0 : i32
      %dma_start3A_219 = tpu.memref_slice %arg10[%run_scoped3A_178, %dma_start3A_217, %dma_start3A_218] : memref<2x128x128xf32, #tpu.memory_space<vmem>> -> memref<1x128x128xf32, #tpu.memory_space<vmem>>
      %dma_start3A_220 = tpu.memref_squeeze %dma_start3A_219 : memref<1x128x128xf32, #tpu.memory_space<vmem>> -> memref<128x128xf32, #tpu.memory_space<vmem>>
      tpu.enqueue_dma source(%dma_start3A_220 : memref<128x128xf32, #tpu.memory_space<vmem>>) target(%dma_start3A_216 : memref<128x128xf32, #tpu.memory_space<hbm>>) target_semaphore(%run_scoped3A_208 : memref<!tpu.dma_semaphore, #tpu.memory_space<semaphore_mem>>)
      %dma_wait3A_221 = arith.constant 0 : i32
      %dma_wait3A_222 = arith.constant 0 : i32
      %dma_wait3A_223 = tpu.memref_slice %arg10[%run_scoped3A_178, %dma_wait3A_221, %dma_wait3A_222] : memref<2x128x128xf32, #tpu.memory_space<vmem>> -> memref<1x128x128xf32, #tpu.memory_space<vmem>>
      %dma_wait3A_224 = tpu.memref_squeeze %dma_wait3A_223 : memref<1x128x128xf32, #tpu.memory_space<vmem>> -> memref<128x128xf32, #tpu.memory_space<vmem>>
      %dma_wait3A_225 = arith.constant 0 : i32
      %dma_wait3A_226 = tpu.memref_slice %arg6[%add3A_177, %dma_wait3A_225] : memref<16384x128xf32, #tpu.memory_space<hbm>> -> memref<128x128xf32, #tpu.memory_space<hbm>>
      %dma_wait3A_227 = arith.constant 0 : i32
      %dma_wait3A_228 = tpu.memref_slice %arg6[%add3A_177, %dma_wait3A_227] : memref<16384x128xf32, #tpu.memory_space<hbm>> -> memref<128x128xf32, #tpu.memory_space<hbm>>
      %dma_wait3A_229 = arith.constant 0 : i32
      %dma_wait3A_230 = arith.constant 0 : i32
      %dma_wait3A_231 = tpu.memref_slice %arg10[%run_scoped3A_178, %dma_wait3A_229, %dma_wait3A_230] : memref<2x128x128xf32, #tpu.memory_space<vmem>> -> memref<1x128x128xf32, #tpu.memory_space<vmem>>
      %dma_wait3A_232 = tpu.memref_squeeze %dma_wait3A_231 : memref<1x128x128xf32, #tpu.memory_space<vmem>> -> memref<128x128xf32, #tpu.memory_space<vmem>>
      tpu.wait_dma2 semaphore(%run_scoped3A_208 : memref<!tpu.dma_semaphore, #tpu.memory_space<semaphore_mem>>) src(%dma_wait3A_232 : memref<128x128xf32, #tpu.memory_space<vmem>>) dst(%dma_wait3A_228 : memref<128x128xf32, #tpu.memory_space<hbm>>)
      tpu.yield
    }) : () -> ()
    %run_scoped3A_179 = arith.constant 0 : i32
    "tpu.region"() ({
      %run_scoped3A_208 = tpu.sem_alloc : memref<!tpu.dma_semaphore, #tpu.memory_space<semaphore_mem>>
      %dma_start3A_209 = arith.constant 0 : i32
      %dma_start3A_210 = arith.constant 0 : i32
      %dma_start3A_211 = tpu.memref_slice %arg11[%run_scoped3A_179, %dma_start3A_209, %dma_start3A_210] : memref<2x128x128xf32, #tpu.memory_space<vmem>> -> memref<1x128x128xf32, #tpu.memory_space<vmem>>
      %dma_start3A_212 = tpu.memref_squeeze %dma_start3A_211 : memref<1x128x128xf32, #tpu.memory_space<vmem>> -> memref<128x128xf32, #tpu.memory_space<vmem>>
      %dma_start3A_213 = arith.constant 0 : i32
      %dma_start3A_214 = tpu.memref_slice %arg7[%add3A_177, %dma_start3A_213] : memref<16384x128xf32, #tpu.memory_space<hbm>> -> memref<128x128xf32, #tpu.memory_space<hbm>>
      %dma_start3A_215 = arith.constant 0 : i32
      %dma_start3A_216 = tpu.memref_slice %arg7[%add3A_177, %dma_start3A_215] : memref<16384x128xf32, #tpu.memory_space<hbm>> -> memref<128x128xf32, #tpu.memory_space<hbm>>
      %dma_start3A_217 = arith.constant 0 : i32
      %dma_start3A_218 = arith.constant 0 : i32
      %dma_start3A_219 = tpu.memref_slice %arg11[%run_scoped3A_179, %dma_start3A_217, %dma_start3A_218] : memref<2x128x128xf32, #tpu.memory_space<vmem>> -> memref<1x128x128xf32, #tpu.memory_space<vmem>>
      %dma_start3A_220 = tpu.memref_squeeze %dma_start3A_219 : memref<1x128x128xf32, #tpu.memory_space<vmem>> -> memref<128x128xf32, #tpu.memory_space<vmem>>
      tpu.enqueue_dma source(%dma_start3A_220 : memref<128x128xf32, #tpu.memory_space<vmem>>) target(%dma_start3A_216 : memref<128x128xf32, #tpu.memory_space<hbm>>) target_semaphore(%run_scoped3A_208 : memref<!tpu.dma_semaphore, #tpu.memory_space<semaphore_mem>>)
      %dma_wait3A_221 = arith.constant 0 : i32
      %dma_wait3A_222 = arith.constant 0 : i32
      %dma_wait3A_223 = tpu.memref_slice %arg11[%run_scoped3A_179, %dma_wait3A_221, %dma_wait3A_222] : memref<2x128x128xf32, #tpu.memory_space<vmem>> -> memref<1x128x128xf32, #tpu.memory_space<vmem>>
      %dma_wait3A_224 = tpu.memref_squeeze %dma_wait3A_223 : memref<1x128x128xf32, #tpu.memory_space<vmem>> -> memref<128x128xf32, #tpu.memory_space<vmem>>
      %dma_wait3A_225 = arith.constant 0 : i32
      %dma_wait3A_226 = tpu.memref_slice %arg7[%add3A_177, %dma_wait3A_225] : memref<16384x128xf32, #tpu.memory_space<hbm>> -> memref<128x128xf32, #tpu.memory_space<hbm>>
      %dma_wait3A_227 = arith.constant 0 : i32
      %dma_wait3A_228 = tpu.memref_slice %arg7[%add3A_177, %dma_wait3A_227] : memref<16384x128xf32, #tpu.memory_space<hbm>> -> memref<128x128xf32, #tpu.memory_space<hbm>>
      %dma_wait3A_229 = arith.constant 0 : i32
      %dma_wait3A_230 = arith.constant 0 : i32
      %dma_wait3A_231 = tpu.memref_slice %arg11[%run_scoped3A_179, %dma_wait3A_229, %dma_wait3A_230] : memref<2x128x128xf32, #tpu.memory_space<vmem>> -> memref<1x128x128xf32, #tpu.memory_space<vmem>>
      %dma_wait3A_232 = tpu.memref_squeeze %dma_wait3A_231 : memref<1x128x128xf32, #tpu.memory_space<vmem>> -> memref<128x128xf32, #tpu.memory_space<vmem>>
      tpu.wait_dma2 semaphore(%run_scoped3A_208 : memref<!tpu.dma_semaphore, #tpu.memory_space<semaphore_mem>>) src(%dma_wait3A_232 : memref<128x128xf32, #tpu.memory_space<vmem>>) dst(%dma_wait3A_228 : memref<128x128xf32, #tpu.memory_space<hbm>>)
      tpu.yield
    }) : () -> ()
    %dma_wait3A_180 = arith.constant 3 : i32
    %dma_wait3A_181 = arith.constant 1 : i32
    %dma_wait3A_182 = arith.constant 0 : i32
    %dma_wait3A_183 = arith.constant 0 : i32
    %dma_wait3A_184 = tpu.memref_slice %arg10[%dma_wait3A_181, %dma_wait3A_182, %dma_wait3A_183] : memref<2x128x128xf32, #tpu.memory_space<vmem>> -> memref<1x128x128xf32, #tpu.memory_space<vmem>>
    %dma_wait3A_185 = tpu.memref_squeeze %dma_wait3A_184 : memref<1x128x128xf32, #tpu.memory_space<vmem>> -> memref<128x128xf32, #tpu.memory_space<vmem>>
    %dma_wait3A_186 = arith.constant 0 : i32
    %dma_wait3A_187 = tpu.memref_slice %arg8[%dma_wait3A_180, %dma_wait3A_186] : memref<4x128xi32, #tpu.memory_space<vmem>> -> memref<1x128xi32, #tpu.memory_space<vmem>>
    %dma_wait3A_188 = tpu.memref_squeeze %dma_wait3A_187 : memref<1x128xi32, #tpu.memory_space<vmem>> -> memref<128xi32, #tpu.memory_space<vmem>>
    %dma_wait3A_189 = arith.constant 0 : i32
    %dma_wait3A_190 = arith.constant 0 : i32
    %dma_wait3A_191 = tpu.memref_slice %arg4[%dma_wait3A_189, %dma_wait3A_190] : memref<253952x128xf32, #tpu.memory_space<hbm>> -> memref<253952x128xf32, #tpu.memory_space<hbm>>
    tpu.wait_indirect_dma semaphore(%arg12 : memref<!tpu.dma_semaphore, #tpu.memory_space<semaphore_mem>>) src(%dma_wait3A_191 : memref<253952x128xf32, #tpu.memory_space<hbm>>) dst(%dma_wait3A_185 : memref<128x128xf32, #tpu.memory_space<vmem>>)
    %dma_wait3A_192 = arith.constant 3 : i32
    %dma_wait3A_193 = arith.constant 1 : i32
    %dma_wait3A_194 = arith.constant 0 : i32
    %dma_wait3A_195 = arith.constant 0 : i32
    %dma_wait3A_196 = tpu.memref_slice %arg11[%dma_wait3A_193, %dma_wait3A_194, %dma_wait3A_195] : memref<2x128x128xf32, #tpu.memory_space<vmem>> -> memref<1x128x128xf32, #tpu.memory_space<vmem>>
    %dma_wait3A_197 = tpu.memref_squeeze %dma_wait3A_196 : memref<1x128x128xf32, #tpu.memory_space<vmem>> -> memref<128x128xf32, #tpu.memory_space<vmem>>
    %dma_wait3A_198 = arith.constant 0 : i32
    %dma_wait3A_199 = tpu.memref_slice %arg9[%dma_wait3A_192, %dma_wait3A_198] : memref<4x128xi32, #tpu.memory_space<vmem>> -> memref<1x128xi32, #tpu.memory_space<vmem>>
    %dma_wait3A_200 = tpu.memref_squeeze %dma_wait3A_199 : memref<1x128xi32, #tpu.memory_space<vmem>> -> memref<128xi32, #tpu.memory_space<vmem>>
    %dma_wait3A_201 = arith.constant 0 : i32
    %dma_wait3A_202 = arith.constant 0 : i32
    %dma_wait3A_203 = tpu.memref_slice %arg5[%dma_wait3A_201, %dma_wait3A_202] : memref<253952x128xf32, #tpu.memory_space<hbm>> -> memref<253952x128xf32, #tpu.memory_space<hbm>>
    tpu.wait_indirect_dma semaphore(%arg12 : memref<!tpu.dma_semaphore, #tpu.memory_space<semaphore_mem>>) src(%dma_wait3A_203 : memref<253952x128xf32, #tpu.memory_space<hbm>>) dst(%dma_wait3A_197 : memref<128x128xf32, #tpu.memory_space<vmem>>)
    %add3A_204 = arith.constant 384 : i32
    %add3A_205 = arith.addi %mul3A_2, %add3A_204 : i32
    %run_scoped3A_206 = arith.constant 1 : i32
    "tpu.region"() ({
      %run_scoped3A_208 = tpu.sem_alloc : memref<!tpu.dma_semaphore, #tpu.memory_space<semaphore_mem>>
      %dma_start3A_209 = arith.constant 0 : i32
      %dma_start3A_210 = arith.constant 0 : i32
      %dma_start3A_211 = tpu.memref_slice %arg10[%run_scoped3A_206, %dma_start3A_209, %dma_start3A_210] : memref<2x128x128xf32, #tpu.memory_space<vmem>> -> memref<1x128x128xf32, #tpu.memory_space<vmem>>
      %dma_start3A_212 = tpu.memref_squeeze %dma_start3A_211 : memref<1x128x128xf32, #tpu.memory_space<vmem>> -> memref<128x128xf32, #tpu.memory_space<vmem>>
      %dma_start3A_213 = arith.constant 0 : i32
      %dma_start3A_214 = tpu.memref_slice %arg6[%add3A_205, %dma_start3A_213] : memref<16384x128xf32, #tpu.memory_space<hbm>> -> memref<128x128xf32, #tpu.memory_space<hbm>>
      %dma_start3A_215 = arith.constant 0 : i32
      %dma_start3A_216 = tpu.memref_slice %arg6[%add3A_205, %dma_start3A_215] : memref<16384x128xf32, #tpu.memory_space<hbm>> -> memref<128x128xf32, #tpu.memory_space<hbm>>
      %dma_start3A_217 = arith.constant 0 : i32
      %dma_start3A_218 = arith.constant 0 : i32
      %dma_start3A_219 = tpu.memref_slice %arg10[%run_scoped3A_206, %dma_start3A_217, %dma_start3A_218] : memref<2x128x128xf32, #tpu.memory_space<vmem>> -> memref<1x128x128xf32, #tpu.memory_space<vmem>>
      %dma_start3A_220 = tpu.memref_squeeze %dma_start3A_219 : memref<1x128x128xf32, #tpu.memory_space<vmem>> -> memref<128x128xf32, #tpu.memory_space<vmem>>
      tpu.enqueue_dma source(%dma_start3A_220 : memref<128x128xf32, #tpu.memory_space<vmem>>) target(%dma_start3A_216 : memref<128x128xf32, #tpu.memory_space<hbm>>) target_semaphore(%run_scoped3A_208 : memref<!tpu.dma_semaphore, #tpu.memory_space<semaphore_mem>>)
      %dma_wait3A_221 = arith.constant 0 : i32
      %dma_wait3A_222 = arith.constant 0 : i32
      %dma_wait3A_223 = tpu.memref_slice %arg10[%run_scoped3A_206, %dma_wait3A_221, %dma_wait3A_222] : memref<2x128x128xf32, #tpu.memory_space<vmem>> -> memref<1x128x128xf32, #tpu.memory_space<vmem>>
      %dma_wait3A_224 = tpu.memref_squeeze %dma_wait3A_223 : memref<1x128x128xf32, #tpu.memory_space<vmem>> -> memref<128x128xf32, #tpu.memory_space<vmem>>
      %dma_wait3A_225 = arith.constant 0 : i32
      %dma_wait3A_226 = tpu.memref_slice %arg6[%add3A_205, %dma_wait3A_225] : memref<16384x128xf32, #tpu.memory_space<hbm>> -> memref<128x128xf32, #tpu.memory_space<hbm>>
      %dma_wait3A_227 = arith.constant 0 : i32
      %dma_wait3A_228 = tpu.memref_slice %arg6[%add3A_205, %dma_wait3A_227] : memref<16384x128xf32, #tpu.memory_space<hbm>> -> memref<128x128xf32, #tpu.memory_space<hbm>>
      %dma_wait3A_229 = arith.constant 0 : i32
      %dma_wait3A_230 = arith.constant 0 : i32
      %dma_wait3A_231 = tpu.memref_slice %arg10[%run_scoped3A_206, %dma_wait3A_229, %dma_wait3A_230] : memref<2x128x128xf32, #tpu.memory_space<vmem>> -> memref<1x128x128xf32, #tpu.memory_space<vmem>>
      %dma_wait3A_232 = tpu.memref_squeeze %dma_wait3A_231 : memref<1x128x128xf32, #tpu.memory_space<vmem>> -> memref<128x128xf32, #tpu.memory_space<vmem>>
      tpu.wait_dma2 semaphore(%run_scoped3A_208 : memref<!tpu.dma_semaphore, #tpu.memory_space<semaphore_mem>>) src(%dma_wait3A_232 : memref<128x128xf32, #tpu.memory_space<vmem>>) dst(%dma_wait3A_228 : memref<128x128xf32, #tpu.memory_space<hbm>>)
      tpu.yield
    }) : () -> ()
    %run_scoped3A_207 = arith.constant 1 : i32
    "tpu.region"() ({
      %run_scoped3A_208 = tpu.sem_alloc : memref<!tpu.dma_semaphore, #tpu.memory_space<semaphore_mem>>
      %dma_start3A_209 = arith.constant 0 : i32
      %dma_start3A_210 = arith.constant 0 : i32
      %dma_start3A_211 = tpu.memref_slice %arg11[%run_scoped3A_207, %dma_start3A_209, %dma_start3A_210] : memref<2x128x128xf32, #tpu.memory_space<vmem>> -> memref<1x128x128xf32, #tpu.memory_space<vmem>>
      %dma_start3A_212 = tpu.memref_squeeze %dma_start3A_211 : memref<1x128x128xf32, #tpu.memory_space<vmem>> -> memref<128x128xf32, #tpu.memory_space<vmem>>
      %dma_start3A_213 = arith.constant 0 : i32
      %dma_start3A_214 = tpu.memref_slice %arg7[%add3A_205, %dma_start3A_213] : memref<16384x128xf32, #tpu.memory_space<hbm>> -> memref<128x128xf32, #tpu.memory_space<hbm>>
      %dma_start3A_215 = arith.constant 0 : i32
      %dma_start3A_216 = tpu.memref_slice %arg7[%add3A_205, %dma_start3A_215] : memref<16384x128xf32, #tpu.memory_space<hbm>> -> memref<128x128xf32, #tpu.memory_space<hbm>>
      %dma_start3A_217 = arith.constant 0 : i32
      %dma_start3A_218 = arith.constant 0 : i32
      %dma_start3A_219 = tpu.memref_slice %arg11[%run_scoped3A_207, %dma_start3A_217, %dma_start3A_218] : memref<2x128x128xf32, #tpu.memory_space<vmem>> -> memref<1x128x128xf32, #tpu.memory_space<vmem>>
      %dma_start3A_220 = tpu.memref_squeeze %dma_start3A_219 : memref<1x128x128xf32, #tpu.memory_space<vmem>> -> memref<128x128xf32, #tpu.memory_space<vmem>>
      tpu.enqueue_dma source(%dma_start3A_220 : memref<128x128xf32, #tpu.memory_space<vmem>>) target(%dma_start3A_216 : memref<128x128xf32, #tpu.memory_space<hbm>>) target_semaphore(%run_scoped3A_208 : memref<!tpu.dma_semaphore, #tpu.memory_space<semaphore_mem>>)
      %dma_wait3A_221 = arith.constant 0 : i32
      %dma_wait3A_222 = arith.constant 0 : i32
      %dma_wait3A_223 = tpu.memref_slice %arg11[%run_scoped3A_207, %dma_wait3A_221, %dma_wait3A_222] : memref<2x128x128xf32, #tpu.memory_space<vmem>> -> memref<1x128x128xf32, #tpu.memory_space<vmem>>
      %dma_wait3A_224 = tpu.memref_squeeze %dma_wait3A_223 : memref<1x128x128xf32, #tpu.memory_space<vmem>> -> memref<128x128xf32, #tpu.memory_space<vmem>>
      %dma_wait3A_225 = arith.constant 0 : i32
      %dma_wait3A_226 = tpu.memref_slice %arg7[%add3A_205, %dma_wait3A_225] : memref<16384x128xf32, #tpu.memory_space<hbm>> -> memref<128x128xf32, #tpu.memory_space<hbm>>
      %dma_wait3A_227 = arith.constant 0 : i32
      %dma_wait3A_228 = tpu.memref_slice %arg7[%add3A_205, %dma_wait3A_227] : memref<16384x128xf32, #tpu.memory_space<hbm>> -> memref<128x128xf32, #tpu.memory_space<hbm>>
      %dma_wait3A_229 = arith.constant 0 : i32
      %dma_wait3A_230 = arith.constant 0 : i32
      %dma_wait3A_231 = tpu.memref_slice %arg11[%run_scoped3A_207, %dma_wait3A_229, %dma_wait3A_230] : memref<2x128x128xf32, #tpu.memory_space<vmem>> -> memref<1x128x128xf32, #tpu.memory_space<vmem>>
      %dma_wait3A_232 = tpu.memref_squeeze %dma_wait3A_231 : memref<1x128x128xf32, #tpu.memory_space<vmem>> -> memref<128x128xf32, #tpu.memory_space<vmem>>
      tpu.wait_dma2 semaphore(%run_scoped3A_208 : memref<!tpu.dma_semaphore, #tpu.memory_space<semaphore_mem>>) src(%dma_wait3A_232 : memref<128x128xf32, #tpu.memory_space<vmem>>) dst(%dma_wait3A_228 : memref<128x128xf32, #tpu.memory_space<hbm>>)
      tpu.yield
    }) : () -> ()
    return
  }
}

module attributes {stable_mosaic.version = 14 : i64} {
  func.func @body(%arg0: i32, %arg1: memref<32x16384xf32, #tpu.memory_space<vmem>>, %arg2: memref<32x32xf32, #tpu.memory_space<vmem>>, %arg3: memref<4096x128xf32, #tpu.memory_space<vmem>>) attributes {dimension_semantics = [#tpu.dimension_semantics<arbitrary>], iteration_bounds = array<i64: 62>, scalar_prefetch = 0 : i64, scratch_operands = 0 : i64, tpu.core_type = #tpu.core_type<tc>, window_params = [{transform_indices = @transform_0, window_bounds = array<i64: 32, 16384>}, {pipeline_mode = #tpu.pipeline_mode<synchronous>, transform_indices = @transform_1, window_bounds = array<i64: 32, 32>}, {transform_indices = @transform_2, window_bounds = array<i64: 4096, 128>}]} {
    %get3A = arith.constant 0 : index
    %get3A_0 = arith.constant 0 : index
    %get3A_1 = vector.load %arg1[%get3A, %get3A_0] : memref<32x16384xf32, #tpu.memory_space<vmem>>, vector<32x4096xf32>
    %get3A_2 = arith.constant 0 : index
    %get3A_3 = arith.constant 0 : index
    %get3A_4 = vector.load %arg2[%get3A_2, %get3A_3] : memref<32x32xf32, #tpu.memory_space<vmem>>, vector<32x32xf32>
    %dot_general3A = arith.constant dense<0.000000e+00> : vector<4096x32xf32>
    %dot_general3A_5 = tpu.matmul %get3A_1, %get3A_4, %dot_general3A {dimension_numbers = #tpu.dot_dimension_numbers<[0], [0], [1], [1], [0, 1, 1, 1], [], []>, transpose_lhs_hint = false} : vector<32x4096xf32>, vector<32x32xf32>, vector<4096x32xf32> -> vector<4096x32xf32>
    %get3A_6 = arith.constant 0 : index
    %get3A_7 = arith.constant 4096 : index
    %get3A_8 = vector.load %arg1[%get3A_6, %get3A_7] : memref<32x16384xf32, #tpu.memory_space<vmem>>, vector<32x4096xf32>
    %get3A_9 = arith.constant 0 : index
    %get3A_10 = arith.constant 0 : index
    %get3A_11 = vector.load %arg2[%get3A_9, %get3A_10] : memref<32x32xf32, #tpu.memory_space<vmem>>, vector<32x32xf32>
    %dot_general3A_12 = arith.constant dense<0.000000e+00> : vector<4096x32xf32>
    %dot_general3A_13 = tpu.matmul %get3A_8, %get3A_11, %dot_general3A_12 {dimension_numbers = #tpu.dot_dimension_numbers<[0], [0], [1], [1], [0, 1, 1, 1], [], []>, transpose_lhs_hint = false} : vector<32x4096xf32>, vector<32x32xf32>, vector<4096x32xf32> -> vector<4096x32xf32>
    %get3A_14 = arith.constant 0 : index
    %get3A_15 = arith.constant 8192 : index
    %get3A_16 = vector.load %arg1[%get3A_14, %get3A_15] : memref<32x16384xf32, #tpu.memory_space<vmem>>, vector<32x4096xf32>
    %get3A_17 = arith.constant 0 : index
    %get3A_18 = arith.constant 0 : index
    %get3A_19 = vector.load %arg2[%get3A_17, %get3A_18] : memref<32x32xf32, #tpu.memory_space<vmem>>, vector<32x32xf32>
    %dot_general3A_20 = arith.constant dense<0.000000e+00> : vector<4096x32xf32>
    %dot_general3A_21 = tpu.matmul %get3A_16, %get3A_19, %dot_general3A_20 {dimension_numbers = #tpu.dot_dimension_numbers<[0], [0], [1], [1], [0, 1, 1, 1], [], []>, transpose_lhs_hint = false} : vector<32x4096xf32>, vector<32x32xf32>, vector<4096x32xf32> -> vector<4096x32xf32>
    %get3A_22 = arith.constant 0 : index
    %get3A_23 = arith.constant 12288 : index
    %get3A_24 = vector.load %arg1[%get3A_22, %get3A_23] : memref<32x16384xf32, #tpu.memory_space<vmem>>, vector<32x4096xf32>
    %get3A_25 = arith.constant 0 : index
    %get3A_26 = arith.constant 0 : index
    %get3A_27 = vector.load %arg2[%get3A_25, %get3A_26] : memref<32x32xf32, #tpu.memory_space<vmem>>, vector<32x32xf32>
    %dot_general3A_28 = arith.constant dense<0.000000e+00> : vector<4096x32xf32>
    %dot_general3A_29 = tpu.matmul %get3A_24, %get3A_27, %dot_general3A_28 {dimension_numbers = #tpu.dot_dimension_numbers<[0], [0], [1], [1], [0, 1, 1, 1], [], []>, transpose_lhs_hint = false} : vector<32x4096xf32>, vector<32x32xf32>, vector<4096x32xf32> -> vector<4096x32xf32>
    %concatenate3A = tpu.concatenate %dot_general3A_5, %dot_general3A_13, %dot_general3A_21, %dot_general3A_29 in 1 : vector<4096x32xf32>, vector<4096x32xf32>, vector<4096x32xf32>, vector<4096x32xf32> -> vector<4096x128xf32>
    %swap3A = arith.constant 0 : index
    %swap3A_30 = arith.constant 0 : index
    %swap3A_31 = vector.load %arg3[%swap3A, %swap3A_30] : memref<4096x128xf32, #tpu.memory_space<vmem>>, vector<4096x128xf32>
    tpu.vector_store %arg3[%swap3A, %swap3A_30], %concatenate3A {strides = array<i32>} : memref<4096x128xf32, #tpu.memory_space<vmem>>, vector<4096x128xf32>,
    return
  }
  func.func @transform_0(%arg0: i32) -> (i32, i32) {
    %c0_i32 = arith.constant 0 : i32
    %c0_i32_0 = arith.constant 0 : i32
    return %c0_i32, %arg0 : i32, i32
  }
  func.func @transform_1(%arg0: i32) -> (i32, i32) {
    %c0_i32 = arith.constant 0 : i32
    %c0_i32_0 = arith.constant 0 : i32
    %c0_i32_1 = arith.constant 0 : i32
    return %c0_i32, %c0_i32_0 : i32, i32
  }
  func.func @transform_2(%arg0: i32) -> (i32, i32) {
    %c0_i32 = arith.constant 0 : i32
    %c0_i32_0 = arith.constant 0 : i32
    return %arg0, %c0_i32 : i32, i32
  }
}

module attributes {stable_mosaic.version = 14 : i64} {
  func.func @body(%arg0: i32, %arg1: memref<32x16384xf32, #tpu.memory_space<vmem>>, %arg2: memref<32x32xf32, #tpu.memory_space<vmem>>, %arg3: memref<4096x128xf32, #tpu.memory_space<vmem>>) attributes {dimension_semantics = [#tpu.dimension_semantics<arbitrary>], iteration_bounds = array<i64: 62>, scalar_prefetch = 0 : i64, scratch_operands = 0 : i64, tpu.core_type = #tpu.core_type<tc>, window_params = [{transform_indices = @transform_0, window_bounds = array<i64: 32, 16384>}, {pipeline_mode = #tpu.pipeline_mode<synchronous>, transform_indices = @transform_1, window_bounds = array<i64: 32, 32>}, {transform_indices = @transform_2, window_bounds = array<i64: 4096, 128>}]} {
    %get3A = arith.constant 0 : index
    %get3A_0 = arith.constant 0 : index
    %get3A_1 = vector.load %arg1[%get3A, %get3A_0] : memref<32x16384xf32, #tpu.memory_space<vmem>>, vector<32x4096xf32>
    %get3A_2 = arith.constant 0 : index
    %get3A_3 = arith.constant 0 : index
    %get3A_4 = vector.load %arg2[%get3A_2, %get3A_3] : memref<32x32xf32, #tpu.memory_space<vmem>>, vector<32x32xf32>
    %dot_general3A = arith.constant dense<0.000000e+00> : vector<4096x32xf32>
    %dot_general3A_5 = tpu.matmul %get3A_1, %get3A_4, %dot_general3A {dimension_numbers = #tpu.dot_dimension_numbers<[0], [0], [1], [1], [0, 1, 1, 1], [], []>, transpose_lhs_hint = false} : vector<32x4096xf32>, vector<32x32xf32>, vector<4096x32xf32> -> vector<4096x32xf32>
    %get3A_6 = arith.constant 0 : index
    %get3A_7 = arith.constant 4096 : index
    %get3A_8 = vector.load %arg1[%get3A_6, %get3A_7] : memref<32x16384xf32, #tpu.memory_space<vmem>>, vector<32x4096xf32>
    %get3A_9 = arith.constant 0 : index
    %get3A_10 = arith.constant 0 : index
    %get3A_11 = vector.load %arg2[%get3A_9, %get3A_10] : memref<32x32xf32, #tpu.memory_space<vmem>>, vector<32x32xf32>
    %dot_general3A_12 = arith.constant dense<0.000000e+00> : vector<4096x32xf32>
    %dot_general3A_13 = tpu.matmul %get3A_8, %get3A_11, %dot_general3A_12 {dimension_numbers = #tpu.dot_dimension_numbers<[0], [0], [1], [1], [0, 1, 1, 1], [], []>, transpose_lhs_hint = false} : vector<32x4096xf32>, vector<32x32xf32>, vector<4096x32xf32> -> vector<4096x32xf32>
    %get3A_14 = arith.constant 0 : index
    %get3A_15 = arith.constant 8192 : index
    %get3A_16 = vector.load %arg1[%get3A_14, %get3A_15] : memref<32x16384xf32, #tpu.memory_space<vmem>>, vector<32x4096xf32>
    %get3A_17 = arith.constant 0 : index
    %get3A_18 = arith.constant 0 : index
    %get3A_19 = vector.load %arg2[%get3A_17, %get3A_18] : memref<32x32xf32, #tpu.memory_space<vmem>>, vector<32x32xf32>
    %dot_general3A_20 = arith.constant dense<0.000000e+00> : vector<4096x32xf32>
    %dot_general3A_21 = tpu.matmul %get3A_16, %get3A_19, %dot_general3A_20 {dimension_numbers = #tpu.dot_dimension_numbers<[0], [0], [1], [1], [0, 1, 1, 1], [], []>, transpose_lhs_hint = false} : vector<32x4096xf32>, vector<32x32xf32>, vector<4096x32xf32> -> vector<4096x32xf32>
    %get3A_22 = arith.constant 0 : index
    %get3A_23 = arith.constant 12288 : index
    %get3A_24 = vector.load %arg1[%get3A_22, %get3A_23] : memref<32x16384xf32, #tpu.memory_space<vmem>>, vector<32x4096xf32>
    %get3A_25 = arith.constant 0 : index
    %get3A_26 = arith.constant 0 : index
    %get3A_27 = vector.load %arg2[%get3A_25, %get3A_26] : memref<32x32xf32, #tpu.memory_space<vmem>>, vector<32x32xf32>
    %dot_general3A_28 = arith.constant dense<0.000000e+00> : vector<4096x32xf32>
    %dot_general3A_29 = tpu.matmul %get3A_24, %get3A_27, %dot_general3A_28 {dimension_numbers = #tpu.dot_dimension_numbers<[0], [0], [1], [1], [0, 1, 1, 1], [], []>, transpose_lhs_hint = false} : vector<32x4096xf32>, vector<32x32xf32>, vector<4096x32xf32> -> vector<4096x32xf32>
    %concatenate3A = tpu.concatenate %dot_general3A_5, %dot_general3A_13, %dot_general3A_21, %dot_general3A_29 in 1 : vector<4096x32xf32>, vector<4096x32xf32>, vector<4096x32xf32>, vector<4096x32xf32> -> vector<4096x128xf32>
    %swap3A = arith.constant 0 : index
    %swap3A_30 = arith.constant 0 : index
    %swap3A_31 = vector.load %arg3[%swap3A, %swap3A_30] : memref<4096x128xf32, #tpu.memory_space<vmem>>, vector<4096x128xf32>
    tpu.vector_store %arg3[%swap3A, %swap3A_30], %concatenate3A {strides = array<i32>} : memref<4096x128xf32, #tpu.memory_space<vmem>>, vector<4096x128xf32>,
    return
  }
  func.func @transform_0(%arg0: i32) -> (i32, i32) {
    %c0_i32 = arith.constant 0 : i32
    %c0_i32_0 = arith.constant 0 : i32
    return %c0_i32, %arg0 : i32, i32
  }
  func.func @transform_1(%arg0: i32) -> (i32, i32) {
    %c0_i32 = arith.constant 0 : i32
    %c0_i32_0 = arith.constant 0 : i32
    %c0_i32_1 = arith.constant 0 : i32
    return %c0_i32, %c0_i32_0 : i32, i32
  }
  func.func @transform_2(%arg0: i32) -> (i32, i32) {
    %c0_i32 = arith.constant 0 : i32
    %c0_i32_0 = arith.constant 0 : i32
    return %arg0, %c0_i32 : i32, i32
  }
}

module attributes {stable_mosaic.version = 14 : i64} {
  func.func @body(%arg0: i32, %arg1: memref<2048x128xf32, #tpu.memory_space<vmem>>, %arg2: memref<2048x128xf32, #tpu.memory_space<vmem>>, %arg3: memref<2048x1xi32, #tpu.memory_space<vmem>>, %arg4: memref<2048x1xi32, #tpu.memory_space<vmem>>, %arg5: memref<32x32xf32, #tpu.memory_space<vmem>>, %arg6: memref<1x32xf32, #tpu.memory_space<vmem>>, %arg7: memref<2048xf32, #tpu.memory_space<vmem>>) attributes {dimension_semantics = [#tpu.dimension_semantics<arbitrary>], iteration_bounds = array<i64: 8>, scalar_prefetch = 0 : i64, scratch_operands = 0 : i64, tpu.core_type = #tpu.core_type<tc>, window_params = [{transform_indices = @transform_0, window_bounds = array<i64: 2048, 128>}, {transform_indices = @transform_1, window_bounds = array<i64: 2048, 128>}, {transform_indices = @transform_2, window_bounds = array<i64: 2048, 1>}, {transform_indices = @transform_3, window_bounds = array<i64: 2048, 1>}, {pipeline_mode = #tpu.pipeline_mode<synchronous>, transform_indices = @transform_4, window_bounds = array<i64: 32, 32>}, {pipeline_mode = #tpu.pipeline_mode<synchronous>, transform_indices = @transform_5, window_bounds = array<i64: 1, 32>}, {transform_indices = @transform_6, window_bounds = array<i64: 2048>}]} {
    %get3A = arith.constant 0 : index
    %get3A_0 = arith.constant 0 : index
    %get3A_1 = vector.load %arg3[%get3A, %get3A_0] : memref<2048x1xi32, #tpu.memory_space<vmem>>, vector<2048x1xi32>
    %get3A_2 = arith.constant 0 : index
    %get3A_3 = arith.constant 0 : index
    %get3A_4 = vector.load %arg4[%get3A_2, %get3A_3] : memref<2048x1xi32, #tpu.memory_space<vmem>>, vector<2048x1xi32>
    %get3A_5 = arith.constant 0 : index
    %get3A_6 = arith.constant 0 : index
    %get3A_7 = vector.load %arg1[%get3A_5, %get3A_6] : memref<2048x128xf32, #tpu.memory_space<vmem>>, vector<2048x32xf32>
    %get3A_8 = arith.constant 0 : index
    %get3A_9 = arith.constant 0 : index
    %get3A_10 = vector.load %arg2[%get3A_8, %get3A_9] : memref<2048x128xf32, #tpu.memory_space<vmem>>, vector<2048x32xf32>
    %eq3A = arith.constant 1 : i32
    %eq3A_11 = vector.broadcast %eq3A : i32 to vector<2048x1xi32>
    %eq3A_12 = arith.cmpi eq, %get3A_1, %eq3A_11 : vector<2048x1xi32>
    %get3A_13 = arith.constant 0 : index
    %get3A_14 = arith.constant 32 : index
    %get3A_15 = vector.load %arg1[%get3A_13, %get3A_14] : memref<2048x128xf32, #tpu.memory_space<vmem>>, vector<2048x32xf32>
    %broadcast_in_dim3A = vector.shape_cast %eq3A_12 : vector<2048x1xi1> to vector<2048x1xi1>
    %broadcast_in_dim3A_16 = vector.broadcast %broadcast_in_dim3A : vector<2048x1xi1> to vector<2048x32xi1>
    %select_n3A = arith.select %broadcast_in_dim3A_16, %get3A_15, %get3A_7 : vector<2048x32xi1>, vector<2048x32xf32>
    %eq3A_17 = arith.constant 1 : i32
    %eq3A_18 = vector.broadcast %eq3A_17 : i32 to vector<2048x1xi32>
    %eq3A_19 = arith.cmpi eq, %get3A_4, %eq3A_18 : vector<2048x1xi32>
    %get3A_20 = arith.constant 0 : index
    %get3A_21 = arith.constant 32 : index
    %get3A_22 = vector.load %arg2[%get3A_20, %get3A_21] : memref<2048x128xf32, #tpu.memory_space<vmem>>, vector<2048x32xf32>
    %broadcast_in_dim3A_23 = vector.shape_cast %eq3A_19 : vector<2048x1xi1> to vector<2048x1xi1>
    %broadcast_in_dim3A_24 = vector.broadcast %broadcast_in_dim3A_23 : vector<2048x1xi1> to vector<2048x32xi1>
    %select_n3A_25 = arith.select %broadcast_in_dim3A_24, %get3A_22, %get3A_10 : vector<2048x32xi1>, vector<2048x32xf32>
    %eq3A_26 = arith.constant 2 : i32
    %eq3A_27 = vector.broadcast %eq3A_26 : i32 to vector<2048x1xi32>
    %eq3A_28 = arith.cmpi eq, %get3A_1, %eq3A_27 : vector<2048x1xi32>
    %get3A_29 = arith.constant 0 : index
    %get3A_30 = arith.constant 64 : index
    %get3A_31 = vector.load %arg1[%get3A_29, %get3A_30] : memref<2048x128xf32, #tpu.memory_space<vmem>>, vector<2048x32xf32>
    %broadcast_in_dim3A_32 = vector.shape_cast %eq3A_28 : vector<2048x1xi1> to vector<2048x1xi1>
    %broadcast_in_dim3A_33 = vector.broadcast %broadcast_in_dim3A_32 : vector<2048x1xi1> to vector<2048x32xi1>
    %select_n3A_34 = arith.select %broadcast_in_dim3A_33, %get3A_31, %select_n3A : vector<2048x32xi1>, vector<2048x32xf32>
    %eq3A_35 = arith.constant 2 : i32
    %eq3A_36 = vector.broadcast %eq3A_35 : i32 to vector<2048x1xi32>
    %eq3A_37 = arith.cmpi eq, %get3A_4, %eq3A_36 : vector<2048x1xi32>
    %get3A_38 = arith.constant 0 : index
    %get3A_39 = arith.constant 64 : index
    %get3A_40 = vector.load %arg2[%get3A_38, %get3A_39] : memref<2048x128xf32, #tpu.memory_space<vmem>>, vector<2048x32xf32>
    %broadcast_in_dim3A_41 = vector.shape_cast %eq3A_37 : vector<2048x1xi1> to vector<2048x1xi1>
    %broadcast_in_dim3A_42 = vector.broadcast %broadcast_in_dim3A_41 : vector<2048x1xi1> to vector<2048x32xi1>
    %select_n3A_43 = arith.select %broadcast_in_dim3A_42, %get3A_40, %select_n3A_25 : vector<2048x32xi1>, vector<2048x32xf32>
    %eq3A_44 = arith.constant 3 : i32
    %eq3A_45 = vector.broadcast %eq3A_44 : i32 to vector<2048x1xi32>
    %eq3A_46 = arith.cmpi eq, %get3A_1, %eq3A_45 : vector<2048x1xi32>
    %get3A_47 = arith.constant 0 : index
    %get3A_48 = arith.constant 96 : index
    %get3A_49 = vector.load %arg1[%get3A_47, %get3A_48] : memref<2048x128xf32, #tpu.memory_space<vmem>>, vector<2048x32xf32>
    %broadcast_in_dim3A_50 = vector.shape_cast %eq3A_46 : vector<2048x1xi1> to vector<2048x1xi1>
    %broadcast_in_dim3A_51 = vector.broadcast %broadcast_in_dim3A_50 : vector<2048x1xi1> to vector<2048x32xi1>
    %select_n3A_52 = arith.select %broadcast_in_dim3A_51, %get3A_49, %select_n3A_34 : vector<2048x32xi1>, vector<2048x32xf32>
    %eq3A_53 = arith.constant 3 : i32
    %eq3A_54 = vector.broadcast %eq3A_53 : i32 to vector<2048x1xi32>
    %eq3A_55 = arith.cmpi eq, %get3A_4, %eq3A_54 : vector<2048x1xi32>
    %get3A_56 = arith.constant 0 : index
    %get3A_57 = arith.constant 96 : index
    %get3A_58 = vector.load %arg2[%get3A_56, %get3A_57] : memref<2048x128xf32, #tpu.memory_space<vmem>>, vector<2048x32xf32>
    %broadcast_in_dim3A_59 = vector.shape_cast %eq3A_55 : vector<2048x1xi1> to vector<2048x1xi1>
    %broadcast_in_dim3A_60 = vector.broadcast %broadcast_in_dim3A_59 : vector<2048x1xi1> to vector<2048x32xi1>
    %select_n3A_61 = arith.select %broadcast_in_dim3A_60, %get3A_58, %select_n3A_43 : vector<2048x32xi1>, vector<2048x32xf32>
    %get3A_62 = arith.constant 0 : index
    %get3A_63 = arith.constant 0 : index
    %get3A_64 = vector.load %arg5[%get3A_62, %get3A_63] : memref<32x32xf32, #tpu.memory_space<vmem>>, vector<32x32xf32>
    %dot_general3A = arith.constant dense<0.000000e+00> : vector<2048x32xf32>
    %dot_general3A_65 = tpu.matmul %select_n3A_52, %get3A_64, %dot_general3A {dimension_numbers = #tpu.dot_dimension_numbers<[1], [0], [0], [1], [0, 0, 1, 1], [], []>, transpose_lhs_hint = false} : vector<2048x32xf32>, vector<32x32xf32>, vector<2048x32xf32> -> vector<2048x32xf32>
    %get3A_66 = arith.constant 0 : index
    %get3A_67 = arith.constant 0 : index
    %get3A_68 = vector.load %arg6[%get3A_66, %get3A_67] : memref<1x32xf32, #tpu.memory_space<vmem>>, vector<1x32xf32>
    %add3A = vector.broadcast %get3A_68 : vector<1x32xf32> to vector<2048x32xf32>
    %add3A_69 = arith.addf %dot_general3A_65, %add3A : vector<2048x32xf32>
    %mul3A = arith.mulf %add3A_69, %select_n3A_61 : vector<2048x32xf32>
    %reduce_sum3A = arith.constant dense<0.000000e+00> : vector<2048xf32>
    %reduce_sum3A_70 = vector.multi_reduction <add>, %mul3A, %reduce_sum3A [1] : vector<2048x32xf32> to vector<2048xf32>
    %swap3A = arith.constant 0 : index
    %swap3A_71 = vector.load %arg7[%swap3A] : memref<2048xf32, #tpu.memory_space<vmem>>, vector<2048xf32>
    tpu.vector_store %arg7[%swap3A], %reduce_sum3A_70 {strides = array<i32>} : memref<2048xf32, #tpu.memory_space<vmem>>, vector<2048xf32>,
    return
  }
  func.func @transform_0(%arg0: i32) -> (i32, i32) {
    %c0_i32 = arith.constant 0 : i32
    %c0_i32_0 = arith.constant 0 : i32
    return %arg0, %c0_i32 : i32, i32
  }
  func.func @transform_1(%arg0: i32) -> (i32, i32) {
    %c0_i32 = arith.constant 0 : i32
    %c0_i32_0 = arith.constant 0 : i32
    return %arg0, %c0_i32 : i32, i32
  }
  func.func @transform_2(%arg0: i32) -> (i32, i32) {
    %c0_i32 = arith.constant 0 : i32
    %c0_i32_0 = arith.constant 0 : i32
    return %arg0, %c0_i32 : i32, i32
  }
  func.func @transform_3(%arg0: i32) -> (i32, i32) {
    %c0_i32 = arith.constant 0 : i32
    %c0_i32_0 = arith.constant 0 : i32
    return %arg0, %c0_i32 : i32, i32
  }
  func.func @transform_4(%arg0: i32) -> (i32, i32) {
    %c0_i32 = arith.constant 0 : i32
    %c0_i32_0 = arith.constant 0 : i32
    %c0_i32_1 = arith.constant 0 : i32
    return %c0_i32, %c0_i32_0 : i32, i32
  }
  func.func @transform_5(%arg0: i32) -> (i32, i32) {
    %c0_i32 = arith.constant 0 : i32
    %c0_i32_0 = arith.constant 0 : i32
    %c0_i32_1 = arith.constant 0 : i32
    return %c0_i32, %c0_i32_0 : i32, i32
  }
  func.func @transform_6(%arg0: i32) -> i32 {
    %c0_i32 = arith.constant 0 : i32
    return %arg0 : i32
  }
}

</mosaic_0001>

<sc_bundles>
// kernel: kernel.6.cloned.1.call-start
scs
__scs_entry_jumppad:
0x0: {  	(pc) =	sbr.rel $0x88, $3  }
0x1: {  	(tag) =	ssettag $0x0;
	lr =	simm.s32 $0x1  }
0x2: {  	[smem:$0x3F9C] =	sst lr;
	_ =	strace $0xD0000000  }
0x3: {  	_ = 	snop  }
0x4: {  	_ = 	snop  }
0x5: {  	_ = 	snop  }
0x6: {  	_ = 	snop  }
0x7: {  	_ = 	snop  }
__scs_overlays_trampoline_lowered:
0x8: {  	[smem:$0x3FAB] =	sst s0  }
0x9: {  	[smem:$0x3FAC] =	sst s1  }
0xa: {  	[smem:$0x3FAD] =	sst s2  }
0xb: {  	[smem:$0x3FAE] =	sst s3  }
0xc: {  	[smem:$0x3FAF] =	sst s4  }
0xd: {  	[smem:$0x3FB0] =	sst s5  }
0xe: {  	[smem:$0x3FB1] =	sst s6  }
0xf: {  	[smem:$0x3FB2] =	sst s7  }
0x10: {  	[smem:$0x3FB3] =	sst s8  }
0x11: {  	[smem:$0x3FB4] =	sst s9;
	s0 =	simm.s32 @!p0 $0x0  }
0x12: {  	s1 =	sld [smem:$0x3F9A];
	s0 =	simm.s32 @p0 $0x1  }
0x13: {  	[smem:$0x3FB5] =	sst s0;
	s0 =	simm.s32 @!p1 $0x0  }
0x14: {  	s2 =	sld [smem:$0x3F99];
	s0 =	simm.s32 @p1 $0x1  }
0x15: {  	[smem:$0x3FB6] =	sst s0;
	s0 =	simm.s32 @!p2 $0x0  }
0x16: {  	s3 =	sld [smem:$0x3FDB];
	s0 =	simm.s32 @p2 $0x1  }
0x17: {  	s4 =	simm.s32 $0x1BF5;
	[smem:$0x3FB8] =	sst s0  }
0x18: {  	s0 =	sld [smem:$0x3F9B];
	_ =	swait.ge [sflag:s4], $0x0  }
0x19: {  	s7 =	sld [smem:$0x3F9C]  }
0x1a: {  	s8 =	sadd.s32 $0xFFFFE003, lr  }
0x1b: {  	s9 =	sadd.s32 $0xFFFFFEF7, lr;
	s5 =	simm.s32 $0xFFFFFFFF;
	p2 =	slt.u32 s8, $0xFFFFF086  }
0x1c: {  	p1 =	slt.u32 s9, $0xF7A;
	s5 =	simm.s32 @!p2 $0x0  }
0x1d: {  	s5 =	simm.s32 @p1 $0x1;
	p0 =	seq.s32 s7, s2  }
0x1e: {  	s7 =	smul.u32 @!p0 $0xF7A, s2;
	p2 =	seq.s32 @!p0 s5, $0x0  }
0x1f: {  	s9 =	smul.u32 $0xF7A, s1;
	s8 =	simm.s32 @!p0 $0x1BF5;
	p2 =	por !p2, p0  }
0x20: {  	[sflag:s8] =	ssyncset.s32 @!p0 $0xFFFFF086;
	s6 =	sadd.s32 @!p0 s3, s7;
	s7 =	simm.s32 @!p0 $0x108  }
0x21: {  	s3 =	sadd.s32 s3, s9;
	s6 =	sadd.s32 @!p0 $0x88, s6;
	s7 =	simm.s32 @p2 $0x1082  }
0x22: {  	[simem:s7], [sflag:s8] =	dma.local @!p0 [hbm:s6], $0xF7A  }
0x23: {  	s9 =	sor.u32 $0xD0000000, s2;
	s6 =	simm.s32 $0x108;
	_ =	swait.ge @!p0 [sflag:s8], $0x0  }
0x24: {  	s3 =	sadd.s32 $0x88, s3;
	s6 =	simm.s32 @!p1 $0x1082;
	[sflag:s4] =	ssyncset.s32 $0xFFFFF086  }
0x25: {  	[simem:s6], [sflag:s4] =	dma.local [hbm:s3], $0xF7A  }
0x26: {  	[smem:$0x3F9C] =	sst s1;
	(tag) =	ssettag s2;
	_ =	strace s9  }
0x27: {  	s1 =	sld [smem:$0x3FAC]  }
0x28: {  	s2 =	sld [smem:$0x3FAD]  }
0x29: {  	s4 =	sld [smem:$0x3FAF]  }
0x2a: {  	p0 =	seq.s32 s5, $0x0;
	s5 =	sld [smem:$0x3FB0]  }
0x2b: {  	s6 =	sld [smem:$0x3FB1]  }
0x2c: {  	s7 =	sld [smem:$0x3FB2]  }
0x2d: {  	s3 =	simm.s32 $0x108;
	s8 =	sld [smem:$0x3FB3]  }
0x2e: {  	s3 =	simm.s32 @!p0 $0x1082;
	s9 =	sld [smem:$0x3FB4]  }
0x2f: {  	lr =	sadd.s32 s0, s3;
	s0 =	sld [smem:$0x3FAB]  }
0x30: {  	s3 =	sld [smem:$0x3FAE]  }
0x31: {  	[smem:$0x3FB7] =	sst s10  }
0x32: {  	s10 =	sld [smem:$0x3FB5];
	_ =	sdelay $0x3  }
0x33: {  	p0 =	seq.s32 s10, $0x1;
	s10 =	sld [smem:$0x3FB7];
	_ =	sdelay $0x3  }
0x34: {  	[smem:$0x3FB7] =	sst s10  }
0x35: {  	s10 =	sld [smem:$0x3FB6];
	_ =	sdelay $0x3  }
0x36: {  	p1 =	seq.s32 s10, $0x1;
	s10 =	sld [smem:$0x3FB7];
	_ =	sdelay $0x3  }
0x37: {  	[smem:$0x3FB7] =	sst s10  }
0x38: {  	s10 =	sld [smem:$0x3FB8]  }
0x39: {  	_ = 	snop;
	(pc) =	sbr.ind lr, $3  }
0x3a: {  	_ = 	snop  }
0x3b: {  	_ = 	snop  }
0x3c: {  	p2 =	seq.s32 s10, $0x1;
	s10 =	sld [smem:$0x3FB7]  }
0x3d: {  	_ =	shalt  }
0x3e: {  	_ =	shalt  }
0x3f: {  	_ =	shalt  }
0x40: {  	_ =	shalt  }
0x41: {  	_ =	shalt  }
0x42: {  	_ =	shalt  }
0x43: {  	_ =	shalt  }
0x44: {  	_ =	shalt  }
0x45: {  	_ =	shalt  }
0x46: {  	_ =	shalt  }
0x47: {  	_ =	shalt  }
0x48: {  	_ =	shalt  }
0x49: {  	_ =	shalt  }
0x4a: {  	_ =	shalt  }
0x4b: {  	_ =	shalt  }
0x4c: {  	_ =	shalt  }
0x4d: {  	_ =	shalt  }
0x4e: {  	_ =	shalt  }
0x4f: {  	_ =	shalt  }
0x50: {  	_ =	shalt  }
0x51: {  	_ =	shalt  }
0x52: {  	_ =	shalt  }
0x53: {  	_ =	shalt  }
0x54: {  	_ =	shalt  }
0x55: {  	_ =	shalt  }
0x56: {  	_ =	shalt  }
0x57: {  	_ =	shalt  }
0x58: {  	_ =	shalt  }
0x59: {  	_ =	shalt  }
0x5a: {  	_ =	shalt  }
0x5b: {  	_ =	shalt  }
0x5c: {  	_ =	shalt  }
0x5d: {  	_ =	shalt  }
0x5e: {  	_ =	shalt  }
0x5f: {  	_ =	shalt  }
0x60: {  	_ =	shalt  }
0x61: {  	_ =	shalt  }
0x62: {  	_ =	shalt  }
0x63: {  	_ =	shalt  }
0x64: {  	_ =	shalt  }
0x65: {  	_ =	shalt  }
0x66: {  	_ =	shalt  }
0x67: {  	_ =	shalt  }
0x68: {  	_ =	shalt  }
0x69: {  	_ =	shalt  }
0x6a: {  	_ =	shalt  }
0x6b: {  	_ =	shalt  }
0x6c: {  	_ =	shalt  }
0x6d: {  	_ =	shalt  }
0x6e: {  	_ =	shalt  }
0x6f: {  	_ =	shalt  }
0x70: {  	_ =	shalt  }
0x71: {  	_ =	shalt  }
0x72: {  	_ =	shalt  }
0x73: {  	_ =	shalt  }
0x74: {  	_ =	shalt  }
0x75: {  	_ =	shalt  }
0x76: {  	_ =	shalt  }
0x77: {  	_ =	shalt  }
0x78: {  	_ =	shalt  }
0x79: {  	_ =	shalt  }
0x7a: {  	_ =	shalt  }
0x7b: {  	_ =	shalt  }
0x7c: {  	_ =	shalt  }
0x7d: {  	_ =	shalt  }
0x7e: {  	_ =	shalt  }
0x7f: {  	_ =	shalt  }
0x80: {  	_ =	shalt  }
0x81: {  	_ =	shalt  }
0x82: {  	_ =	shalt  }
0x83: {  	_ =	shalt  }
0x84: {  	_ =	shalt  }
0x85: {  	_ =	shalt  }
0x86: {  	_ =	shalt  }
0x87: {  	_ =	shalt  }
.Lfunc_end0:
.L_simem_size_0:
called_computation_lowered:
.L_overlay_start_0:
0x88: {  	s2 =	sld [smem:$0x3FD9]  }
0x89: {  	s3 =	sld [smem:$0x3FFE];
	_ =	sdelay $0x1  }
0x8a: {  	s1 =	srdreg.scid  }
0x8b: {  	s0 =	sand.u32 $0x1, s1  }
0x8c: {  	s17 =	sshll.u32 s0, $0xA;
	s2 =	sadd.s32 s3, s2  }
0x8d: {  	s2 =	sadd.s32 s2, s17  }
0x8e: {  	[smem:$0x3FC3] =	sst s2  }
0x8f: {  	_ = 	snop  }
0x90: {  	s2 =	sld [smem:$0x3FD0];
	(tm) =	ssettm $0x1  }
0x91: {  	s18 =	sld [smem:$0x3FFB];
	_ =	sdelay $0x3  }
0x92: {  	_ =	strace s18  }
0x93: {  	s3 =	sld [smem:$0x3FFC];
	_ =	sdelay $0x3  }
0x94: {  	_ =	strace s3  }
0x95: {  	s3 =	sld [smem:$0x3FFD];
	_ =	sdelay $0x3  }
0x96: {  	_ =	strace s3  }
0x97: {  	_ =	strace $0x8FFFFFFF  }
0x98: {  	s19 =	sld [smem:$0x3FDB];
	_ =	sdelay $0x1  }
0x99: {  	s4 =	simm.s32 $_scs_section_size  }
0x9a: {  	s5 =	simm.s32 $_size__tile_overlayer_lowered;
	s6 =	simm.s32 $_tile_overlayer_lowered  }
0x9b: {  	s22 =	simm.s32 $0x1BFF;
	s21 =	sshll.u32 s6, $0x1;
	s3 =	sadd.s32 s4, s19  }
0x9c: {  	s7 =	simm.s32 $0x0;
	s20 =	sshll.u32 s5, $0x1;
	s5 =	sadd.s32 s21, s3  }
0x9d: {  	[timem:s7], [sflag:s22] =	dma.local [hbm:s5], s20  }
0x9e: {  	_ =	swait.ge [sflag:s22], s20  }
0x9f: {  	s4 =	ssub.s32 $0x0, s20;
	[sflag:s22] =	ssyncset.done $0x0  }
0xa0: {  	[sflag:s22] =	ssyncadd.s32 s4;
	_ =	sdelay $0x1  }
0xa1: {  	s23 =	simm.s32 $0x1B8B  }
0xa2: {  	_ =	swait.ge [sflag:s23], $0x1  }
0xa3: {  	[sflag:s23] =	ssyncset.done $0x0  }
0xa4: {  	s25 =	simm.s32 $0x1B8E;
	s24 =	sld [smem:$0x3FFE];
	[sflag:s23] =	ssyncadd.s32 $0xFFFFFFFF  }
0xa5: {  	s26 =	simm.s32 $execute0_lowered;
	[smem:$0x3FD2] =	sst s25  }
0xa6: {  	s5 =	sshll.u32 s26, $0x1;
	_ =	strace $0x80000046;
	[dreg:$0x1] =	wrdreg $0xFFFFFFFF  }
0xa7: {  	s28 =	simm.s32 $_size_execute0_lowered;
	s3 =	sadd.s32 s3, s5;
	[dreg:$0x0] =	wrdreg $0x0  }
0xa8: {  	s5 =	sshll.u32 s28, $0x1;
	[dreg:$0x2] =	wrdreg s3  }
0xa9: {  	[dreg:$0x3] =	wrdreg s5  }
0xaa: {  	[dreg:$0x4] =	wrdreg $0xC0  }
0xab: {  	_ =	task [dreg:s7], $0x5FFFF  }
0xac: {  	[dreg:$0x1] =	wrdreg $0xFFFFFFFF  }
0xad: {  	[dreg:$0x0] =	wrdreg $0x60  }
0xae: {  	[dreg:$0x2] =	wrdreg s2  }
0xaf: {  	[dreg:$0x3] =	wrdreg s24  }
0xb0: {  	[dreg:$0x4] =	wrdreg $0x9  }
0xb1: {  	_ =	task.clear_ibuf [dreg:s7], $0x5FFFF;
	_ =	strace $0x90000046  }
0xb2: {  	s29 =	simm.s32 $0x9;
	_ =	strace $0x80000048  }
0xb3: {  	_ =	swait.ge [sflag:s29], $0x1  }
0xb4: {  	[sflag:s29] =	ssyncadd.s32 $0xFFFFFFFF  }
0xb5: {  	_ =	strace $0x90000048  }
0xb6: {  	_ =	sfence  }
0xb7: {  	s30 =	sld [smem:$0x0];
	_ =	sdelay $0x2  }
0xb8: {  	s31 =	sshll.u32 s1, $0xD;
	s1 =	sshrl.u32 s1, $0x2  }
0xb9: {  	s3 =	sand.u32 $0x4000, s31;
	s1 =	sadd.s32 s1, s30  }
0xba: {  	s0 =	sor.u32 s3, s0;
	s1 =	sshll.u32 s1, $0x11  }
0xbb: {  	s0 =	sor.u32 s1, s0  }
0xbc: {  	s0 =	sadd.s32 $0x8F2B, s0  }
0xbd: {  	[sflag:s0] =	ssyncadd.remote.s32 $0x1  }
0xbe: {  	_ =	sfence.sel $0xFFFF  }
0xbf: {  	[dreg:$0x0] =	wrdreg $0xFFFFFFFF;
	(pc) =	sbr.abs _section_cstart, $3  }
0xc0: {  	[dreg:$0x1] =	wrdreg $0xFFFFFFFF  }
0xc1: {  	_ =	task.clear_ibuf [dreg:s7], $0x2FFFF;
	_ =	strace $0x9FFFFFFF  }
0xc2: {  	(tm) =	ssettm $0x7FFFFFFF  }
0xc3: {  	_ =	shalt  }
tec
execute0_lowered:
.L_overlay_start_1:
0x0: {  	(tag) =	ssettag $0x1  }
0x1: {  	s1 =	srdreg.scid  }
0x2: {  	s3 =	rddreg [dreg:$0x0];
	s0 =	stileid.u32;
	s26 =	sand.u32 $0x1, s1  }
0x3: {  	s17 =	rddreg [dreg:$0x1];
	s4 =	sshll.u32 s0, $0xA;
	s5 =	sshll.u32 s26, $0x9  }
0x4: {  	s2 =	simm.s32 $0x0;
	s1 =	rddreg [dreg:$0x2];
	s16 =	sor.u32 s5, s4  }
0x5: {  	[smem:$0x7FF] =	sst s2;
	s5 =	sshrl.u32 s16, $0x3  }
0x6: {  	_ =	strace $0x80000047;
	s4 =	sadd.s32 s3, s5;
	s3 =	simm.s32 $0x2  }
0x7: {  	[tilespmem:s2], [sflag:$0x2] =	stream.linear.gather [hbm4b:s4+s2], $0x200, $0x38;
	[tilespmem:$0x10400] =	vst v63  }
0x8: {  	_ =	swait.ge [sflag:s3], $0x200  }
0x9: {  	s5 =	sadd.s32 s5, s17;
	[sflag:s3] =	ssyncset.done $0x0  }
0xa: {  	s6 =	simm.s32 $0x200;
	s5 =	sadd.s32 $0x7C2E00, s5;
	[sflag:s3] =	ssyncadd.s32 $0xFFFFFE00  }
0xb: {  	[tilespmem:s6], [sflag:$0x2] =	stream.linear.gather [hbm4b:s5+s2], $0x200, $0x38;
	[tilespmem:$0x10400] =	vst v63  }
0xc: {  	_ =	swait.ge [sflag:s3], $0x200  }
0xd: {  	s8 =	simm.s32 $0x80;
	[sflag:s3] =	ssyncset.done $0x0  }
0xe: {  	s9 =	simm.s32 $0x400;
	s7 =	sadd.s32 $0x2E00, s17;
	[sflag:s3] =	ssyncadd.s32 $0xFFFFFE00  }
0xf: {  	[tilespmem:s9], [sflag:$0x1] =	stream.indirect.gather [hbm4b:s7+s8], $0x80, s2, s8, $0xb8;
	[tilespmem:$0x10400] =	vst v63  }
0x10: {  	s11 =	simm.s32 $0x8400;
	s10 =	sadd.s32 $0x3E2E00, s17  }
0x11: {  	[tilespmem:s11], [sflag:$0x1] =	stream.indirect.gather [hbm4b:s10+s8], $0x80, s6, s8, $0xb8;
	[tilespmem:$0x10400] =	vst v63  }
0x12: {  	s12 =	simm.s32 $0x4400  }
0x13: {  	[tilespmem:s12], [sflag:$0x1] =	stream.indirect.gather [hbm4b:s7+s8], $0x80, s8, s8, $0xb8;
	[tilespmem:$0x10400] =	vst v63  }
0x14: {  	s13 =	simm.s32 $0x280;
	s14 =	simm.s32 $0xC400;
	s15 =	simm.s32 $0x1  }
0x15: {  	[tilespmem:s14], [sflag:$0x1] =	stream.indirect.gather [hbm4b:s10+s8], $0x80, s13, s8, $0xb8;
	[tilespmem:$0x10400] =	vst v63  }
0x16: {  	_ =	swait.ge [sflag:s15], $0x4000  }
0x17: {  	[sflag:s15] =	ssyncset.done $0x0  }
0x18: {  	[sflag:s15] =	ssyncadd.s32 $0xFFFFC000  }
0x19: {  	_ =	swait.ge [sflag:s15], $0x4000  }
0x1a: {  	s28 =	sadd.s32 $0x7C3600, s17;
	s30 =	sshll.u32 s16, $0x4;
	[sflag:s15] =	ssyncset.done $0x0  }
0x1b: {  	s16 =	sadd.s32 s28, s30;
	[sflag:s15] =	ssyncadd.s32 $0xFFFFC000  }
0x1c: {  	[hbm4b:s16+s2] =	stream.linear.scatter [tilespmem:s9], [sflag:$0x2], $0x4000, $0x38;
	[tilespmem:$0x10400] =	vst v63  }
0x1d: {  	_ =	swait.ge [sflag:s3], $0x4000  }
0x1e: {  	s29 =	sadd.s32 $0x803600, s17;
	[sflag:s3] =	ssyncset.done $0x0  }
0x1f: {  	s17 =	sadd.s32 s29, s30;
	[sflag:s3] =	ssyncadd.s32 $0xFFFFC000  }
0x20: {  	[hbm4b:s17+s2] =	stream.linear.scatter [tilespmem:s11], [sflag:$0x2], $0x4000, $0x38;
	[tilespmem:$0x10400] =	vst v63  }
0x21: {  	_ =	swait.ge [sflag:s3], $0x4000  }
0x22: {  	[sflag:s3] =	ssyncset.done $0x0  }
0x23: {  	s18 =	simm.s32 $0x100;
	[sflag:s3] =	ssyncadd.s32 $0xFFFFC000  }
0x24: {  	[tilespmem:s9], [sflag:$0x1] =	stream.indirect.gather [hbm4b:s7+s8], $0x80, s18, s8, $0xb8;
	[tilespmem:$0x10400] =	vst v63  }
0x25: {  	s19 =	simm.s32 $0x300  }
0x26: {  	[tilespmem:s11], [sflag:$0x1] =	stream.indirect.gather [hbm4b:s10+s8], $0x80, s19, s8, $0xb8;
	[tilespmem:$0x10400] =	vst v63  }
0x27: {  	_ =	swait.ge [sflag:s15], $0x4000  }
0x28: {  	[sflag:s15] =	ssyncset.done $0x0  }
0x29: {  	[sflag:s15] =	ssyncadd.s32 $0xFFFFC000  }
0x2a: {  	_ =	swait.ge [sflag:s15], $0x4000  }
0x2b: {  	s21 =	sor.u32 $0x800, s30;
	[sflag:s15] =	ssyncset.done $0x0  }
0x2c: {  	s20 =	sadd.s32 s28, s21;
	[sflag:s15] =	ssyncadd.s32 $0xFFFFC000  }
0x2d: {  	[hbm4b:s20+s2] =	stream.linear.scatter [tilespmem:s12], [sflag:$0x2], $0x4000, $0x38;
	[tilespmem:$0x10400] =	vst v63  }
0x2e: {  	_ =	swait.ge [sflag:s3], $0x4000  }
0x2f: {  	[sflag:s3] =	ssyncset.done $0x0  }
0x30: {  	s21 =	sadd.s32 s29, s21;
	[sflag:s3] =	ssyncadd.s32 $0xFFFFC000  }
0x31: {  	[hbm4b:s21+s2] =	stream.linear.scatter [tilespmem:s14], [sflag:$0x2], $0x4000, $0x38;
	[tilespmem:$0x10400] =	vst v63  }
0x32: {  	_ =	swait.ge [sflag:s3], $0x4000  }
0x33: {  	[sflag:s3] =	ssyncset.done $0x0  }
0x34: {  	s22 =	simm.s32 $0x180;
	[sflag:s3] =	ssyncadd.s32 $0xFFFFC000  }
0x35: {  	[tilespmem:s12], [sflag:$0x1] =	stream.indirect.gather [hbm4b:s7+s8], $0x80, s22, s8, $0xb8;
	[tilespmem:$0x10400] =	vst v63  }
0x36: {  	s23 =	simm.s32 $0x380  }
0x37: {  	[tilespmem:s14], [sflag:$0x1] =	stream.indirect.gather [hbm4b:s10+s8], $0x80, s23, s8, $0xb8;
	[tilespmem:$0x10400] =	vst v63  }
0x38: {  	_ =	swait.ge [sflag:s15], $0x4000  }
0x39: {  	[sflag:s15] =	ssyncset.done $0x0  }
0x3a: {  	[sflag:s15] =	ssyncadd.s32 $0xFFFFC000  }
0x3b: {  	_ =	swait.ge [sflag:s15], $0x4000  }
0x3c: {  	s25 =	sor.u32 $0x1000, s30;
	[sflag:s15] =	ssyncset.done $0x0  }
0x3d: {  	s24 =	sadd.s32 s28, s25;
	[sflag:s15] =	ssyncadd.s32 $0xFFFFC000  }
0x3e: {  	[hbm4b:s24+s2] =	stream.linear.scatter [tilespmem:s9], [sflag:$0x2], $0x4000, $0x38;
	[tilespmem:$0x10400] =	vst v63  }
0x3f: {  	_ =	swait.ge [sflag:s3], $0x4000  }
0x40: {  	[sflag:s3] =	ssyncset.done $0x0  }
0x41: {  	s25 =	sadd.s32 s29, s25;
	[sflag:s3] =	ssyncadd.s32 $0xFFFFC000  }
0x42: {  	[hbm4b:s25+s2] =	stream.linear.scatter [tilespmem:s11], [sflag:$0x2], $0x4000, $0x38;
	[tilespmem:$0x10400] =	vst v63  }
0x43: {  	_ =	swait.ge [sflag:s3], $0x4000  }
0x44: {  	[sflag:s3] =	ssyncset.done $0x0  }
0x45: {  	[sflag:s3] =	ssyncadd.s32 $0xFFFFC000  }
0x46: {  	_ =	swait.ge [sflag:s15], $0x4000  }
0x47: {  	[sflag:s15] =	ssyncset.done $0x0  }
0x48: {  	s31 =	ssub.s32 $0x2, s26;
	s30 =	sor.u32 $0x1800, s30;
	[sflag:s15] =	ssyncadd.s32 $0xFFFFC000  }
0x49: {  	s26 =	sadd.s32 s28, s30;
	s28 =	sshrl.u32 s31, $0x1;
	_ =	swait.ge [sflag:s15], $0x4000  }
0x4a: {  	s31 =	ssub.s32 s31, s28;
	[sflag:s15] =	ssyncset.done $0x0  }
0x4b: {  	s28 =	sadd.s32 s29, s30;
	s29 =	smax.u32 s31, $0x1;
	[sflag:s15] =	ssyncadd.s32 $0xFFFFC000  }
0x4c: {  	[hbm4b:s26+s2] =	stream.linear.scatter [tilespmem:s12], [sflag:$0x2], $0x4000, $0x38;
	[tilespmem:$0x10400] =	vst v63  }
0x4d: {  	p0 =	sne.s32 s29, $0x1;
	_ =	swait.ge [sflag:s3], $0x4000  }
.Ltmp0:
0x4e: {  	[sflag:s3] =	ssyncset.done $0x0;
	(pc) =	sbr.rel @!p0 .LBB2_2-.Ltmp0, $4  }
0x4f: {  	[sflag:s3] =	ssyncadd.s32 $0xFFFFC000  }
0x50: {  	[hbm4b:s28+s2] =	stream.linear.scatter [tilespmem:s14], [sflag:$0x2], $0x4000, $0x38;
	[tilespmem:$0x10400] =	vst v63  }
0x51: {  	_ =	swait.ge [sflag:s3], $0x4000  }
0x52: {  	s29 =	sadd.s32 $0xFFFFFFFF, s29;
	[sflag:s3] =	ssyncset.done $0x0  }
.LBB2_1:
0x53: {  	p0 =	sne.s32 s29, $0x1;
	s29 =	sadd.s32 $0xFFFFFFFF, s29;
	[sflag:s3] =	ssyncadd.s32 $0xFFFFC000  }
0x54: {  	[tilespmem:s2], [sflag:$0x2] =	stream.linear.gather [hbm4b:s4+s2], $0x200, $0x38;
	[tilespmem:$0x10400] =	vst v63  }
0x55: {  	_ =	swait.ge [sflag:s3], $0x200  }
0x56: {  	[sflag:s3] =	ssyncset.done $0x0  }
0x57: {  	[sflag:s3] =	ssyncadd.s32 $0xFFFFFE00  }
0x58: {  	[tilespmem:s6], [sflag:$0x2] =	stream.linear.gather [hbm4b:s5+s2], $0x200, $0x38;
	[tilespmem:$0x10400] =	vst v63  }
0x59: {  	_ =	swait.ge [sflag:s3], $0x200  }
0x5a: {  	[sflag:s3] =	ssyncset.done $0x0  }
0x5b: {  	[sflag:s3] =	ssyncadd.s32 $0xFFFFFE00  }
0x5c: {  	[tilespmem:s9], [sflag:$0x1] =	stream.indirect.gather [hbm4b:s7+s8], $0x80, s2, s8, $0xb8;
	[tilespmem:$0x10400] =	vst v63  }
0x5d: {  	_ = 	snop  }
0x5e: {  	[tilespmem:s11], [sflag:$0x1] =	stream.indirect.gather [hbm4b:s10+s8], $0x80, s6, s8, $0xb8;
	[tilespmem:$0x10400] =	vst v63  }
0x5f: {  	_ = 	snop  }
0x60: {  	[tilespmem:s12], [sflag:$0x1] =	stream.indirect.gather [hbm4b:s7+s8], $0x80, s8, s8, $0xb8;
	[tilespmem:$0x10400] =	vst v63  }
0x61: {  	_ = 	snop  }
0x62: {  	[tilespmem:s14], [sflag:$0x1] =	stream.indirect.gather [hbm4b:s10+s8], $0x80, s13, s8, $0xb8;
	[tilespmem:$0x10400] =	vst v63  }
0x63: {  	_ =	swait.ge [sflag:s15], $0x4000  }
0x64: {  	[sflag:s15] =	ssyncset.done $0x0  }
0x65: {  	[sflag:s15] =	ssyncadd.s32 $0xFFFFC000  }
0x66: {  	_ =	swait.ge [sflag:s15], $0x4000  }
0x67: {  	[sflag:s15] =	ssyncset.done $0x0  }
0x68: {  	[sflag:s15] =	ssyncadd.s32 $0xFFFFC000  }
0x69: {  	[hbm4b:s16+s2] =	stream.linear.scatter [tilespmem:s9], [sflag:$0x2], $0x4000, $0x38;
	[tilespmem:$0x10400] =	vst v63  }
0x6a: {  	_ =	swait.ge [sflag:s3], $0x4000  }
0x6b: {  	[sflag:s3] =	ssyncset.done $0x0  }
0x6c: {  	[sflag:s3] =	ssyncadd.s32 $0xFFFFC000  }
0x6d: {  	[hbm4b:s17+s2] =	stream.linear.scatter [tilespmem:s11], [sflag:$0x2], $0x4000, $0x38;
	[tilespmem:$0x10400] =	vst v63  }
0x6e: {  	_ =	swait.ge [sflag:s3], $0x4000  }
0x6f: {  	[sflag:s3] =	ssyncset.done $0x0  }
0x70: {  	[sflag:s3] =	ssyncadd.s32 $0xFFFFC000  }
0x71: {  	[tilespmem:s9], [sflag:$0x1] =	stream.indirect.gather [hbm4b:s7+s8], $0x80, s18, s8, $0xb8;
	[tilespmem:$0x10400] =	vst v63  }
0x72: {  	_ = 	snop  }
0x73: {  	[tilespmem:s11], [sflag:$0x1] =	stream.indirect.gather [hbm4b:s10+s8], $0x80, s19, s8, $0xb8;
	[tilespmem:$0x10400] =	vst v63  }
0x74: {  	_ =	swait.ge [sflag:s15], $0x4000  }
0x75: {  	[sflag:s15] =	ssyncset.done $0x0  }
0x76: {  	[sflag:s15] =	ssyncadd.s32 $0xFFFFC000  }
0x77: {  	_ =	swait.ge [sflag:s15], $0x4000  }
0x78: {  	[sflag:s15] =	ssyncset.done $0x0  }
0x79: {  	[sflag:s15] =	ssyncadd.s32 $0xFFFFC000  }
0x7a: {  	[hbm4b:s20+s2] =	stream.linear.scatter [tilespmem:s12], [sflag:$0x2], $0x4000, $0x38;
	[tilespmem:$0x10400] =	vst v63  }
0x7b: {  	_ =	swait.ge [sflag:s3], $0x4000  }
0x7c: {  	[sflag:s3] =	ssyncset.done $0x0  }
0x7d: {  	[sflag:s3] =	ssyncadd.s32 $0xFFFFC000  }
0x7e: {  	[hbm4b:s21+s2] =	stream.linear.scatter [tilespmem:s14], [sflag:$0x2], $0x4000, $0x38;
	[tilespmem:$0x10400] =	vst v63  }
0x7f: {  	_ =	swait.ge [sflag:s3], $0x4000  }
0x80: {  	[sflag:s3] =	ssyncset.done $0x0  }
0x81: {  	[sflag:s3] =	ssyncadd.s32 $0xFFFFC000  }
0x82: {  	[tilespmem:s12], [sflag:$0x1] =	stream.indirect.gather [hbm4b:s7+s8], $0x80, s22, s8, $0xb8;
	[tilespmem:$0x10400] =	vst v63  }
0x83: {  	_ = 	snop  }
0x84: {  	[tilespmem:s14], [sflag:$0x1] =	stream.indirect.gather [hbm4b:s10+s8], $0x80, s23, s8, $0xb8;
	[tilespmem:$0x10400] =	vst v63  }
0x85: {  	_ =	swait.ge [sflag:s15], $0x4000  }
0x86: {  	[sflag:s15] =	ssyncset.done $0x0  }
0x87: {  	[sflag:s15] =	ssyncadd.s32 $0xFFFFC000  }
0x88: {  	_ =	swait.ge [sflag:s15], $0x4000  }
0x89: {  	[sflag:s15] =	ssyncset.done $0x0  }
0x8a: {  	[sflag:s15] =	ssyncadd.s32 $0xFFFFC000  }
0x8b: {  	[hbm4b:s24+s2] =	stream.linear.scatter [tilespmem:s9], [sflag:$0x2], $0x4000, $0x38;
	[tilespmem:$0x10400] =	vst v63  }
0x8c: {  	_ =	swait.ge [sflag:s3], $0x4000  }
0x8d: {  	[sflag:s3] =	ssyncset.done $0x0  }
0x8e: {  	[sflag:s3] =	ssyncadd.s32 $0xFFFFC000  }
0x8f: {  	[hbm4b:s25+s2] =	stream.linear.scatter [tilespmem:s11], [sflag:$0x2], $0x4000, $0x38;
	[tilespmem:$0x10400] =	vst v63  }
0x90: {  	_ =	swait.ge [sflag:s3], $0x4000  }
0x91: {  	[sflag:s3] =	ssyncset.done $0x0  }
0x92: {  	[sflag:s3] =	ssyncadd.s32 $0xFFFFC000  }
0x93: {  	_ =	swait.ge [sflag:s15], $0x4000  }
0x94: {  	[sflag:s15] =	ssyncset.done $0x0  }
0x95: {  	[sflag:s15] =	ssyncadd.s32 $0xFFFFC000  }
0x96: {  	_ =	swait.ge [sflag:s15], $0x4000  }
0x97: {  	[sflag:s15] =	ssyncset.done $0x0  }
0x98: {  	[sflag:s15] =	ssyncadd.s32 $0xFFFFC000  }
0x99: {  	[hbm4b:s26+s2] =	stream.linear.scatter [tilespmem:s12], [sflag:$0x2], $0x4000, $0x38;
	[tilespmem:$0x10400] =	vst v63  }
0x9a: {  	_ =	swait.ge [sflag:s3], $0x4000  }
.Ltmp1:
0x9b: {  	[sflag:s3] =	ssyncset.done $0x0;
	(pc) =	sbr.rel @p0 .LBB2_1-.Ltmp1, $4  }
0x9c: {  	[sflag:s3] =	ssyncadd.s32 $0xFFFFC000  }
0x9d: {  	[hbm4b:s28+s2] =	stream.linear.scatter [tilespmem:s14], [sflag:$0x2], $0x4000, $0x38;
	[tilespmem:$0x10400] =	vst v63  }
0x9e: {  	_ =	swait.ge [sflag:s3], $0x4000  }
0x9f: {  	[sflag:s3] =	ssyncset.done $0x0  }
.LBB2_2:
0xa0: {  	[sflag:s3] =	ssyncadd.s32 $0xFFFFC000  }
0xa1: {  	_ =	sfence.sel $0x180000  }
0xa2: {  	[bflag:$0x0] =	sbarrier.arrive $0xFFFF  }
0xa3: {  	p0 =	sne.s32 s0, $0x0;
	_ =	strace $0x90000047  }
0xa4: {  	s0 =	sadd.s32 @!p0 $0x100000, s1;
	[bflag:$0x2] =	sbarrier.arrive $0xFFFF  }
0xa5: {  	[sflag:s0] =	ssyncadd.tile.s32 @!p0 $0x1;
	_ =	shalt  }
.Lfunc_end2:
_tile_overlayer_lowered:
.L_overlay_start_2:
0xa6: {  	(tag) =	ssettag $0x2  }
0xa7: {  	s0 =	rddreg [dreg:$0x0];
	s2 =	stileid.u32  }
0xa8: {  	s1 =	rddreg [dreg:$0x1];
	p0 =	sne.s32 s2, $0x0  }
0xa9: {  	s3 =	rddreg [dreg:$0x2];
	[bflag:$0x3] =	sbarrier.arrive $0xFFFF;
	s2 =	simm.s32 @!p0 $0x1C02  }
0xaa: {  	[timem:s3], [sflag:s2] =	dma.local @!p0 [hbm:s0], s1  }
0xab: {  	s0 =	simm.s32 @!p0 $0x2  }
0xac: {  	_ =	swait.ge @!p0 [sflag:s0], s1  }
0xad: {  	s1 =	ssub.s32 @!p0 $0x0, s1;
	[sflag:s0] =	ssyncset.done @!p0 $0x0  }
0xae: {  	[sflag:s0] =	ssyncadd.s32 @!p0 s1  }
0xaf: {  	[bflag:$0x3] =	sbarrier.arrive $0xFFFF  }
0xb0: {  	_ =	shalt  }

</sc_bundles>
